<compile_context>
chip_gen: v7x
topology: tpu7x:2x2x1
jax: 0.10.2.dev20260603
libtpu: 0.0.44.dev20260713+nightly
codegen_flags: <defaults>
</compile_context>

<pallas_src>
import jax
import jax.numpy as jnp
from jax import lax
from jax.experimental import pallas as pl
from jax.experimental.pallas import tpu as pltpu
from jax.experimental.pallas import tpu_sc as plsc

B = 4096
F = 26
V = 100000
D = 16
H = 32
FD = F * D

NC = 2
NS = 16
NW = NC * NS
BF = B * F
CHUNK = BF // NW
GSZ = 128
K = CHUNK // GSZ


def _gather_body(idx_hbm, table_hbm, out_hbm, idx_v, rows_v, sem):
    wid = lax.axis_index("s") * NC + lax.axis_index("c")
    pltpu.sync_copy(idx_hbm.at[wid], idx_v)
    copies = []
    for j in range(K):
        copies.append(
            pltpu.async_copy(
                table_hbm.at[idx_v.at[j]],
                rows_v.at[pl.ds(j * GSZ, GSZ)],
                sem,
            )
        )
    for c in copies:
        c.wait()
    pltpu.sync_copy(rows_v, out_hbm.at[wid])


_SC_GATHER_CACHE = []


def _sc_gather_kernel():
    if not _SC_GATHER_CACHE:
        _SC_GATHER_CACHE.append(pl.kernel(
            _gather_body,
            out_type=jax.ShapeDtypeStruct((NW, CHUNK, D), jnp.float32),
            mesh=plsc.VectorSubcoreMesh(core_axis_name="c",
                                        subcore_axis_name="s",
                                        num_cores=NC, num_subcores=NS),
            scratch_types=[
                pltpu.VMEM((K, GSZ), jnp.int32),
                pltpu.VMEM((CHUNK, D), jnp.float32),
                pltpu.SemaphoreType.DMA,
            ],
            compiler_params=pltpu.CompilerParams(use_tc_tiling_on_sc=False),
        ))
    return _SC_GATHER_CACHE[0]


BLK = 512


def _tc_body(emb_ref, xv_ref, exp_ref, w1_ref, w2_ref, l1w_ref, l1b_ref,
             l2w_ref, l2b_ref, lw_ref, lb_ref, out_ref):
    xv_rep = jnp.dot(xv_ref[:], exp_ref[:], preferred_element_type=jnp.float32)
    scaled = emb_ref[:] * xv_rep
    first = jnp.dot(scaled, w1_ref[:], preferred_element_type=jnp.float32)
    s = jnp.dot(scaled, w2_ref[:], preferred_element_type=jnp.float32)
    x = first + s * s
    x = jnp.maximum(jnp.dot(x, l1w_ref[:], preferred_element_type=jnp.float32) + l1b_ref[:], 0.0)
    x = jnp.maximum(jnp.dot(x, l2w_ref[:], preferred_element_type=jnp.float32) + l2b_ref[:], 0.0)
    out_ref[:] = jnp.dot(x, lw_ref[:], preferred_element_type=jnp.float32) + lb_ref[:]


_tc_dense = pl.pallas_call(
    _tc_body,
    grid=(B // BLK,),
    in_specs=[
        pl.BlockSpec((BLK, FD), lambda i: (i, 0)),
        pl.BlockSpec((BLK, F), lambda i: (i, 0)),
        pl.BlockSpec((F, FD), lambda i: (0, 0)),
        pl.BlockSpec((FD, H), lambda i: (0, 0)),
        pl.BlockSpec((FD, H), lambda i: (0, 0)),
        pl.BlockSpec((H, H), lambda i: (0, 0)),
        pl.BlockSpec((1, H), lambda i: (0, 0)),
        pl.BlockSpec((H, H), lambda i: (0, 0)),
        pl.BlockSpec((1, H), lambda i: (0, 0)),
        pl.BlockSpec((H, 1), lambda i: (0, 0)),
        pl.BlockSpec((1, 1), lambda i: (0, 0)),
    ],
    out_specs=pl.BlockSpec((BLK, 1), lambda i: (i, 0)),
    out_shape=jax.ShapeDtypeStruct((B, 1), jnp.float32),
)


def kernel(Xi, Xv, tables, W1, W2, L1_w, L1_b, L2_w, L2_b, last_w, last_b):
    idx_flat = (Xi[:, :, 0].astype(jnp.int32)
                + jnp.arange(F, dtype=jnp.int32)[None, :] * V)
    idx2 = idx_flat.reshape(NW, K, GSZ)
    tables_flat = tables.reshape(F * V, D)

    emb = _sc_gather_kernel()(idx2, tables_flat)
    emb_flat = emb.reshape(B, FD)

    expmat = (jnp.arange(FD, dtype=jnp.int32)[None, :] // D
              == jnp.arange(F, dtype=jnp.int32)[:, None]).astype(jnp.float32)
    w1r = W1.reshape(H, FD).T
    w2r = W2.reshape(H, FD).T

    out = _tc_dense(
        emb_flat, Xv, expmat, w1r, w2r,
        L1_w.T, L1_b.reshape(1, H),
        L2_w.T, L2_b.reshape(1, H),
        last_w.T, last_b.reshape(1, 1),
    )
    return out[:, 0]

# --- scband reference (transcript-rebuilt; emitter-appended) ---
"""Pipeline reference for scband-pnn1-35716948034260 (READ-ONLY COPY).

The authoritative reference and input builder live on the scoring server;
editing this copy changes nothing except your own understanding.
"""

import jax, jax.numpy as jnp
import numpy as np

B = 4096
F = 26
V = 100000
D = 16
H = 32

def setup_inputs(seed: int = 0) -> dict:
    key = jax.random.key(seed)
    ks = jax.random.split(key, 12)
    Xi = jax.random.randint(ks[0], (B, F, 1), 0, V)
    Xv = jax.random.uniform(ks[1], (B, F), dtype=jnp.float32)
    tables = jax.random.normal(ks[2], (F, V, D), dtype=jnp.float32) * 0.01
    W1 = jax.random.normal(ks[3], (H, F, D), dtype=jnp.float32)
    W2 = jax.random.normal(ks[4], (H, F, D), dtype=jnp.float32)
    L1_w = jax.random.normal(ks[5], (H, H), dtype=jnp.float32) * 0.1
    L1_b = jnp.zeros((H,), dtype=jnp.float32)
    L2_w = jax.random.normal(ks[6], (H, H), dtype=jnp.float32) * 0.1
    L2_b = jnp.zeros((H,), dtype=jnp.float32)
    last_w = jax.random.normal(ks[7], (1, H), dtype=jnp.float32) * 0.1
    last_b = jnp.zeros((1,), dtype=jnp.float32)
    return {"Xi": Xi, "Xv": Xv, "tables": tables, "W1": W1, "W2": W2,
            "L1_w": L1_w, "L1_b": L1_b, "L2_w": L2_w, "L2_b": L2_b,
            "last_w": last_w, "last_b": last_b}

def reference(Xi, Xv, tables, W1, W2, L1_w, L1_b, L2_w, L2_b, last_w, last_b):
    # embedding lookup per field: tables[f][Xi[:, f, :]] summed over lookup axis,
    # then scaled by the field value Xv[:, f]  (emb_arr in the torch code)
    f_idx = jnp.arange(F)[None, :, None]           # [1, F, 1]
    gathered = tables[f_idx, Xi]                   # [B, F, 1, D]
    emb = gathered.sum(axis=2) * Xv[:, :, None]    # [B, F, D]
    # first-order part: for each output unit k, sum_f <emb[b,f], W1[k,f]>
    first = jnp.einsum('bfd,kfd->bk', emb, W1)     # [B, H]
    # inner-product (second order) part: s_k = sum_f <emb[b,f], W2[k,f]>, squared
    s = jnp.einsum('bfd,kfd->bk', emb, W2)         # [B, H]
    x = first + s * s
    # deep MLP (relu activation; dropout is identity in eval mode)
    x = jax.nn.relu(x @ L1_w.T + L1_b)
    x = jax.nn.relu(x @ L2_w.T + L2_b)
    x = x @ last_w.T + last_b                      # [B, 1]
    return jnp.sum(x, axis=1)                      # [B]

if __name__ == "__main__":
    import jax
    _d = setup_inputs()
    print(jax.jit(kernel)(*tuple(_d.values())))

</pallas_src>

<mosaic_0001>
#map = affine_map<(d0, d1) -> (0, 0, 0)>
#map1 = affine_map<(d0, d1) -> (0, 0)>
module attributes {stable_mosaic.version = 14 : i64} {
  func.func @_gather_body(%arg0: i32, %arg1: i32, %arg2: memref<32x26x128xi32, #tpu.memory_space<hbm>>, %arg3: memref<2600000x16xf32, #tpu.memory_space<hbm>>, %arg4: memref<32x3328x16xf32, #tpu.memory_space<hbm>>, %arg5: memref<26x128xi32, #tpu.memory_space<vmem>>, %arg6: memref<3328x16xf32, #tpu.memory_space<vmem>>, %arg7: memref<!tpu.dma_semaphore, #tpu.memory_space<semaphore_mem>>) attributes {dimension_semantics = [#tpu.dimension_semantics<core_parallel>, #tpu.dimension_semantics<subcore_parallel>], iteration_bounds = array<i64: 2, 16>, scalar_prefetch = 0 : i64, scratch_operands = 3 : i64, tpu.core_type = #tpu.core_type<sc_vector_subcore>, window_params = [{transform_indices = #map}, {transform_indices = #map1}, {transform_indices = #map}]} {
    %mul3A = arith.constant 2 : i32
    %mul3A_0 = arith.muli %arg1, %mul3A : i32
    %add3A = arith.addi %mul3A_0, %arg0 : i32
    "tpu.region"() ({
      %run_scoped3A = tpu.sem_alloc : memref<!tpu.dma_semaphore, #tpu.memory_space<semaphore_mem>>
      %dma_start3A_519 = arith.constant 0 : i32
      %dma_start3A_520 = arith.constant 0 : i32
      %dma_start3A_521 = tpu.memref_slice %arg2[%add3A, %dma_start3A_519, %dma_start3A_520] : memref<32x26x128xi32, #tpu.memory_space<hbm>> -> memref<1x26x128xi32, #tpu.memory_space<hbm>>
      %dma_start3A_522 = tpu.memref_squeeze %dma_start3A_521 : memref<1x26x128xi32, #tpu.memory_space<hbm>> -> memref<26x128xi32, #tpu.memory_space<hbm>>
      %dma_start3A_523 = arith.constant 0 : i32
      %dma_start3A_524 = arith.constant 0 : i32
      %dma_start3A_525 = tpu.memref_slice %arg2[%add3A, %dma_start3A_523, %dma_start3A_524] : memref<32x26x128xi32, #tpu.memory_space<hbm>> -> memref<1x26x128xi32, #tpu.memory_space<hbm>>
      %dma_start3A_526 = tpu.memref_squeeze %dma_start3A_525 : memref<1x26x128xi32, #tpu.memory_space<hbm>> -> memref<26x128xi32, #tpu.memory_space<hbm>>
      tpu.enqueue_dma source(%dma_start3A_526 : memref<26x128xi32, #tpu.memory_space<hbm>>) target(%arg5 : memref<26x128xi32, #tpu.memory_space<vmem>>) target_semaphore(%run_scoped3A : memref<!tpu.dma_semaphore, #tpu.memory_space<semaphore_mem>>)
      %dma_wait3A_527 = arith.constant 0 : i32
      %dma_wait3A_528 = arith.constant 0 : i32
      %dma_wait3A_529 = tpu.memref_slice %arg2[%add3A, %dma_wait3A_527, %dma_wait3A_528] : memref<32x26x128xi32, #tpu.memory_space<hbm>> -> memref<1x26x128xi32, #tpu.memory_space<hbm>>
      %dma_wait3A_530 = tpu.memref_squeeze %dma_wait3A_529 : memref<1x26x128xi32, #tpu.memory_space<hbm>> -> memref<26x128xi32, #tpu.memory_space<hbm>>
      %dma_wait3A_531 = arith.constant 0 : i32
      %dma_wait3A_532 = arith.constant 0 : i32
      %dma_wait3A_533 = tpu.memref_slice %arg2[%add3A, %dma_wait3A_531, %dma_wait3A_532] : memref<32x26x128xi32, #tpu.memory_space<hbm>> -> memref<1x26x128xi32, #tpu.memory_space<hbm>>
      %dma_wait3A_534 = tpu.memref_squeeze %dma_wait3A_533 : memref<1x26x128xi32, #tpu.memory_space<hbm>> -> memref<26x128xi32, #tpu.memory_space<hbm>>
      tpu.wait_dma2 semaphore(%run_scoped3A : memref<!tpu.dma_semaphore, #tpu.memory_space<semaphore_mem>>) src(%dma_wait3A_534 : memref<26x128xi32, #tpu.memory_space<hbm>>) dst(%arg5 : memref<26x128xi32, #tpu.memory_space<vmem>>)
      tpu.yield
    }) : () -> ()
    %dma_start3A = arith.constant 0 : i32
    %dma_start3A_1 = arith.constant 0 : i32
    %dma_start3A_2 = arith.constant 0 : i32
    %dma_start3A_3 = tpu.memref_slice %arg6[%dma_start3A_1, %dma_start3A_2] : memref<3328x16xf32, #tpu.memory_space<vmem>> -> memref<128x16xf32, #tpu.memory_space<vmem>>
    %dma_start3A_4 = arith.constant 0 : i32
    %dma_start3A_5 = tpu.memref_slice %arg5[%dma_start3A, %dma_start3A_4] : memref<26x128xi32, #tpu.memory_space<vmem>> -> memref<1x128xi32, #tpu.memory_space<vmem>>
    %dma_start3A_6 = tpu.memref_squeeze %dma_start3A_5 : memref<1x128xi32, #tpu.memory_space<vmem>> -> memref<128xi32, #tpu.memory_space<vmem>>
    %dma_start3A_7 = arith.constant 0 : i32
    %dma_start3A_8 = arith.constant 0 : i32
    %dma_start3A_9 = tpu.memref_slice %arg3[%dma_start3A_7, %dma_start3A_8] : memref<2600000x16xf32, #tpu.memory_space<hbm>> -> memref<2600000x16xf32, #tpu.memory_space<hbm>>
    tpu.enqueue_indirect_dma source(%dma_start3A_9 : memref<2600000x16xf32, #tpu.memory_space<hbm>>) target(%dma_start3A_3 : memref<128x16xf32, #tpu.memory_space<vmem>>) offsets(%dma_start3A_6 : memref<128xi32, #tpu.memory_space<vmem>>) semaphore(%arg7 : memref<!tpu.dma_semaphore, #tpu.memory_space<semaphore_mem>>)
    %dma_start3A_10 = arith.constant 1 : i32
    %dma_start3A_11 = arith.constant 128 : i32
    %dma_start3A_12 = arith.constant 0 : i32
    %dma_start3A_13 = tpu.memref_slice %arg6[%dma_start3A_11, %dma_start3A_12] : memref<3328x16xf32, #tpu.memory_space<vmem>> -> memref<128x16xf32, #tpu.memory_space<vmem>>
    %dma_start3A_14 = arith.constant 0 : i32
    %dma_start3A_15 = tpu.memref_slice %arg5[%dma_start3A_10, %dma_start3A_14] : memref<26x128xi32, #tpu.memory_space<vmem>> -> memref<1x128xi32, #tpu.memory_space<vmem>>
    %dma_start3A_16 = tpu.memref_squeeze %dma_start3A_15 : memref<1x128xi32, #tpu.memory_space<vmem>> -> memref<128xi32, #tpu.memory_space<vmem>>
    %dma_start3A_17 = arith.constant 0 : i32
    %dma_start3A_18 = arith.constant 0 : i32
    %dma_start3A_19 = tpu.memref_slice %arg3[%dma_start3A_17, %dma_start3A_18] : memref<2600000x16xf32, #tpu.memory_space<hbm>> -> memref<2600000x16xf32, #tpu.memory_space<hbm>>
    tpu.enqueue_indirect_dma source(%dma_start3A_19 : memref<2600000x16xf32, #tpu.memory_space<hbm>>) target(%dma_start3A_13 : memref<128x16xf32, #tpu.memory_space<vmem>>) offsets(%dma_start3A_16 : memref<128xi32, #tpu.memory_space<vmem>>) semaphore(%arg7 : memref<!tpu.dma_semaphore, #tpu.memory_space<semaphore_mem>>)
    %dma_start3A_20 = arith.constant 2 : i32
    %dma_start3A_21 = arith.constant 256 : i32
    %dma_start3A_22 = arith.constant 0 : i32
    %dma_start3A_23 = tpu.memref_slice %arg6[%dma_start3A_21, %dma_start3A_22] : memref<3328x16xf32, #tpu.memory_space<vmem>> -> memref<128x16xf32, #tpu.memory_space<vmem>>
    %dma_start3A_24 = arith.constant 0 : i32
    %dma_start3A_25 = tpu.memref_slice %arg5[%dma_start3A_20, %dma_start3A_24] : memref<26x128xi32, #tpu.memory_space<vmem>> -> memref<1x128xi32, #tpu.memory_space<vmem>>
    %dma_start3A_26 = tpu.memref_squeeze %dma_start3A_25 : memref<1x128xi32, #tpu.memory_space<vmem>> -> memref<128xi32, #tpu.memory_space<vmem>>
    %dma_start3A_27 = arith.constant 0 : i32
    %dma_start3A_28 = arith.constant 0 : i32
    %dma_start3A_29 = tpu.memref_slice %arg3[%dma_start3A_27, %dma_start3A_28] : memref<2600000x16xf32, #tpu.memory_space<hbm>> -> memref<2600000x16xf32, #tpu.memory_space<hbm>>
    tpu.enqueue_indirect_dma source(%dma_start3A_29 : memref<2600000x16xf32, #tpu.memory_space<hbm>>) target(%dma_start3A_23 : memref<128x16xf32, #tpu.memory_space<vmem>>) offsets(%dma_start3A_26 : memref<128xi32, #tpu.memory_space<vmem>>) semaphore(%arg7 : memref<!tpu.dma_semaphore, #tpu.memory_space<semaphore_mem>>)
    %dma_start3A_30 = arith.constant 3 : i32
    %dma_start3A_31 = arith.constant 384 : i32
    %dma_start3A_32 = arith.constant 0 : i32
    %dma_start3A_33 = tpu.memref_slice %arg6[%dma_start3A_31, %dma_start3A_32] : memref<3328x16xf32, #tpu.memory_space<vmem>> -> memref<128x16xf32, #tpu.memory_space<vmem>>
    %dma_start3A_34 = arith.constant 0 : i32
    %dma_start3A_35 = tpu.memref_slice %arg5[%dma_start3A_30, %dma_start3A_34] : memref<26x128xi32, #tpu.memory_space<vmem>> -> memref<1x128xi32, #tpu.memory_space<vmem>>
    %dma_start3A_36 = tpu.memref_squeeze %dma_start3A_35 : memref<1x128xi32, #tpu.memory_space<vmem>> -> memref<128xi32, #tpu.memory_space<vmem>>
    %dma_start3A_37 = arith.constant 0 : i32
    %dma_start3A_38 = arith.constant 0 : i32
    %dma_start3A_39 = tpu.memref_slice %arg3[%dma_start3A_37, %dma_start3A_38] : memref<2600000x16xf32, #tpu.memory_space<hbm>> -> memref<2600000x16xf32, #tpu.memory_space<hbm>>
    tpu.enqueue_indirect_dma source(%dma_start3A_39 : memref<2600000x16xf32, #tpu.memory_space<hbm>>) target(%dma_start3A_33 : memref<128x16xf32, #tpu.memory_space<vmem>>) offsets(%dma_start3A_36 : memref<128xi32, #tpu.memory_space<vmem>>) semaphore(%arg7 : memref<!tpu.dma_semaphore, #tpu.memory_space<semaphore_mem>>)
    %dma_start3A_40 = arith.constant 4 : i32
    %dma_start3A_41 = arith.constant 512 : i32
    %dma_start3A_42 = arith.constant 0 : i32
    %dma_start3A_43 = tpu.memref_slice %arg6[%dma_start3A_41, %dma_start3A_42] : memref<3328x16xf32, #tpu.memory_space<vmem>> -> memref<128x16xf32, #tpu.memory_space<vmem>>
    %dma_start3A_44 = arith.constant 0 : i32
    %dma_start3A_45 = tpu.memref_slice %arg5[%dma_start3A_40, %dma_start3A_44] : memref<26x128xi32, #tpu.memory_space<vmem>> -> memref<1x128xi32, #tpu.memory_space<vmem>>
    %dma_start3A_46 = tpu.memref_squeeze %dma_start3A_45 : memref<1x128xi32, #tpu.memory_space<vmem>> -> memref<128xi32, #tpu.memory_space<vmem>>
    %dma_start3A_47 = arith.constant 0 : i32
    %dma_start3A_48 = arith.constant 0 : i32
    %dma_start3A_49 = tpu.memref_slice %arg3[%dma_start3A_47, %dma_start3A_48] : memref<2600000x16xf32, #tpu.memory_space<hbm>> -> memref<2600000x16xf32, #tpu.memory_space<hbm>>
    tpu.enqueue_indirect_dma source(%dma_start3A_49 : memref<2600000x16xf32, #tpu.memory_space<hbm>>) target(%dma_start3A_43 : memref<128x16xf32, #tpu.memory_space<vmem>>) offsets(%dma_start3A_46 : memref<128xi32, #tpu.memory_space<vmem>>) semaphore(%arg7 : memref<!tpu.dma_semaphore, #tpu.memory_space<semaphore_mem>>)
    %dma_start3A_50 = arith.constant 5 : i32
    %dma_start3A_51 = arith.constant 640 : i32
    %dma_start3A_52 = arith.constant 0 : i32
    %dma_start3A_53 = tpu.memref_slice %arg6[%dma_start3A_51, %dma_start3A_52] : memref<3328x16xf32, #tpu.memory_space<vmem>> -> memref<128x16xf32, #tpu.memory_space<vmem>>
    %dma_start3A_54 = arith.constant 0 : i32
    %dma_start3A_55 = tpu.memref_slice %arg5[%dma_start3A_50, %dma_start3A_54] : memref<26x128xi32, #tpu.memory_space<vmem>> -> memref<1x128xi32, #tpu.memory_space<vmem>>
    %dma_start3A_56 = tpu.memref_squeeze %dma_start3A_55 : memref<1x128xi32, #tpu.memory_space<vmem>> -> memref<128xi32, #tpu.memory_space<vmem>>
    %dma_start3A_57 = arith.constant 0 : i32
    %dma_start3A_58 = arith.constant 0 : i32
    %dma_start3A_59 = tpu.memref_slice %arg3[%dma_start3A_57, %dma_start3A_58] : memref<2600000x16xf32, #tpu.memory_space<hbm>> -> memref<2600000x16xf32, #tpu.memory_space<hbm>>
    tpu.enqueue_indirect_dma source(%dma_start3A_59 : memref<2600000x16xf32, #tpu.memory_space<hbm>>) target(%dma_start3A_53 : memref<128x16xf32, #tpu.memory_space<vmem>>) offsets(%dma_start3A_56 : memref<128xi32, #tpu.memory_space<vmem>>) semaphore(%arg7 : memref<!tpu.dma_semaphore, #tpu.memory_space<semaphore_mem>>)
    %dma_start3A_60 = arith.constant 6 : i32
    %dma_start3A_61 = arith.constant 768 : i32
    %dma_start3A_62 = arith.constant 0 : i32
    %dma_start3A_63 = tpu.memref_slice %arg6[%dma_start3A_61, %dma_start3A_62] : memref<3328x16xf32, #tpu.memory_space<vmem>> -> memref<128x16xf32, #tpu.memory_space<vmem>>
    %dma_start3A_64 = arith.constant 0 : i32
    %dma_start3A_65 = tpu.memref_slice %arg5[%dma_start3A_60, %dma_start3A_64] : memref<26x128xi32, #tpu.memory_space<vmem>> -> memref<1x128xi32, #tpu.memory_space<vmem>>
    %dma_start3A_66 = tpu.memref_squeeze %dma_start3A_65 : memref<1x128xi32, #tpu.memory_space<vmem>> -> memref<128xi32, #tpu.memory_space<vmem>>
    %dma_start3A_67 = arith.constant 0 : i32
    %dma_start3A_68 = arith.constant 0 : i32
    %dma_start3A_69 = tpu.memref_slice %arg3[%dma_start3A_67, %dma_start3A_68] : memref<2600000x16xf32, #tpu.memory_space<hbm>> -> memref<2600000x16xf32, #tpu.memory_space<hbm>>
    tpu.enqueue_indirect_dma source(%dma_start3A_69 : memref<2600000x16xf32, #tpu.memory_space<hbm>>) target(%dma_start3A_63 : memref<128x16xf32, #tpu.memory_space<vmem>>) offsets(%dma_start3A_66 : memref<128xi32, #tpu.memory_space<vmem>>) semaphore(%arg7 : memref<!tpu.dma_semaphore, #tpu.memory_space<semaphore_mem>>)
    %dma_start3A_70 = arith.constant 7 : i32
    %dma_start3A_71 = arith.constant 896 : i32
    %dma_start3A_72 = arith.constant 0 : i32
    %dma_start3A_73 = tpu.memref_slice %arg6[%dma_start3A_71, %dma_start3A_72] : memref<3328x16xf32, #tpu.memory_space<vmem>> -> memref<128x16xf32, #tpu.memory_space<vmem>>
    %dma_start3A_74 = arith.constant 0 : i32
    %dma_start3A_75 = tpu.memref_slice %arg5[%dma_start3A_70, %dma_start3A_74] : memref<26x128xi32, #tpu.memory_space<vmem>> -> memref<1x128xi32, #tpu.memory_space<vmem>>
    %dma_start3A_76 = tpu.memref_squeeze %dma_start3A_75 : memref<1x128xi32, #tpu.memory_space<vmem>> -> memref<128xi32, #tpu.memory_space<vmem>>
    %dma_start3A_77 = arith.constant 0 : i32
    %dma_start3A_78 = arith.constant 0 : i32
    %dma_start3A_79 = tpu.memref_slice %arg3[%dma_start3A_77, %dma_start3A_78] : memref<2600000x16xf32, #tpu.memory_space<hbm>> -> memref<2600000x16xf32, #tpu.memory_space<hbm>>
    tpu.enqueue_indirect_dma source(%dma_start3A_79 : memref<2600000x16xf32, #tpu.memory_space<hbm>>) target(%dma_start3A_73 : memref<128x16xf32, #tpu.memory_space<vmem>>) offsets(%dma_start3A_76 : memref<128xi32, #tpu.memory_space<vmem>>) semaphore(%arg7 : memref<!tpu.dma_semaphore, #tpu.memory_space<semaphore_mem>>)
    %dma_start3A_80 = arith.constant 8 : i32
    %dma_start3A_81 = arith.constant 1024 : i32
    %dma_start3A_82 = arith.constant 0 : i32
    %dma_start3A_83 = tpu.memref_slice %arg6[%dma_start3A_81, %dma_start3A_82] : memref<3328x16xf32, #tpu.memory_space<vmem>> -> memref<128x16xf32, #tpu.memory_space<vmem>>
    %dma_start3A_84 = arith.constant 0 : i32
    %dma_start3A_85 = tpu.memref_slice %arg5[%dma_start3A_80, %dma_start3A_84] : memref<26x128xi32, #tpu.memory_space<vmem>> -> memref<1x128xi32, #tpu.memory_space<vmem>>
    %dma_start3A_86 = tpu.memref_squeeze %dma_start3A_85 : memref<1x128xi32, #tpu.memory_space<vmem>> -> memref<128xi32, #tpu.memory_space<vmem>>
    %dma_start3A_87 = arith.constant 0 : i32
    %dma_start3A_88 = arith.constant 0 : i32
    %dma_start3A_89 = tpu.memref_slice %arg3[%dma_start3A_87, %dma_start3A_88] : memref<2600000x16xf32, #tpu.memory_space<hbm>> -> memref<2600000x16xf32, #tpu.memory_space<hbm>>
    tpu.enqueue_indirect_dma source(%dma_start3A_89 : memref<2600000x16xf32, #tpu.memory_space<hbm>>) target(%dma_start3A_83 : memref<128x16xf32, #tpu.memory_space<vmem>>) offsets(%dma_start3A_86 : memref<128xi32, #tpu.memory_space<vmem>>) semaphore(%arg7 : memref<!tpu.dma_semaphore, #tpu.memory_space<semaphore_mem>>)
    %dma_start3A_90 = arith.constant 9 : i32
    %dma_start3A_91 = arith.constant 1152 : i32
    %dma_start3A_92 = arith.constant 0 : i32
    %dma_start3A_93 = tpu.memref_slice %arg6[%dma_start3A_91, %dma_start3A_92] : memref<3328x16xf32, #tpu.memory_space<vmem>> -> memref<128x16xf32, #tpu.memory_space<vmem>>
    %dma_start3A_94 = arith.constant 0 : i32
    %dma_start3A_95 = tpu.memref_slice %arg5[%dma_start3A_90, %dma_start3A_94] : memref<26x128xi32, #tpu.memory_space<vmem>> -> memref<1x128xi32, #tpu.memory_space<vmem>>
    %dma_start3A_96 = tpu.memref_squeeze %dma_start3A_95 : memref<1x128xi32, #tpu.memory_space<vmem>> -> memref<128xi32, #tpu.memory_space<vmem>>
    %dma_start3A_97 = arith.constant 0 : i32
    %dma_start3A_98 = arith.constant 0 : i32
    %dma_start3A_99 = tpu.memref_slice %arg3[%dma_start3A_97, %dma_start3A_98] : memref<2600000x16xf32, #tpu.memory_space<hbm>> -> memref<2600000x16xf32, #tpu.memory_space<hbm>>
    tpu.enqueue_indirect_dma source(%dma_start3A_99 : memref<2600000x16xf32, #tpu.memory_space<hbm>>) target(%dma_start3A_93 : memref<128x16xf32, #tpu.memory_space<vmem>>) offsets(%dma_start3A_96 : memref<128xi32, #tpu.memory_space<vmem>>) semaphore(%arg7 : memref<!tpu.dma_semaphore, #tpu.memory_space<semaphore_mem>>)
    %dma_start3A_100 = arith.constant 10 : i32
    %dma_start3A_101 = arith.constant 1280 : i32
    %dma_start3A_102 = arith.constant 0 : i32
    %dma_start3A_103 = tpu.memref_slice %arg6[%dma_start3A_101, %dma_start3A_102] : memref<3328x16xf32, #tpu.memory_space<vmem>> -> memref<128x16xf32, #tpu.memory_space<vmem>>
    %dma_start3A_104 = arith.constant 0 : i32
    %dma_start3A_105 = tpu.memref_slice %arg5[%dma_start3A_100, %dma_start3A_104] : memref<26x128xi32, #tpu.memory_space<vmem>> -> memref<1x128xi32, #tpu.memory_space<vmem>>
    %dma_start3A_106 = tpu.memref_squeeze %dma_start3A_105 : memref<1x128xi32, #tpu.memory_space<vmem>> -> memref<128xi32, #tpu.memory_space<vmem>>
    %dma_start3A_107 = arith.constant 0 : i32
    %dma_start3A_108 = arith.constant 0 : i32
    %dma_start3A_109 = tpu.memref_slice %arg3[%dma_start3A_107, %dma_start3A_108] : memref<2600000x16xf32, #tpu.memory_space<hbm>> -> memref<2600000x16xf32, #tpu.memory_space<hbm>>
    tpu.enqueue_indirect_dma source(%dma_start3A_109 : memref<2600000x16xf32, #tpu.memory_space<hbm>>) target(%dma_start3A_103 : memref<128x16xf32, #tpu.memory_space<vmem>>) offsets(%dma_start3A_106 : memref<128xi32, #tpu.memory_space<vmem>>) semaphore(%arg7 : memref<!tpu.dma_semaphore, #tpu.memory_space<semaphore_mem>>)
    %dma_start3A_110 = arith.constant 11 : i32
    %dma_start3A_111 = arith.constant 1408 : i32
    %dma_start3A_112 = arith.constant 0 : i32
    %dma_start3A_113 = tpu.memref_slice %arg6[%dma_start3A_111, %dma_start3A_112] : memref<3328x16xf32, #tpu.memory_space<vmem>> -> memref<128x16xf32, #tpu.memory_space<vmem>>
    %dma_start3A_114 = arith.constant 0 : i32
    %dma_start3A_115 = tpu.memref_slice %arg5[%dma_start3A_110, %dma_start3A_114] : memref<26x128xi32, #tpu.memory_space<vmem>> -> memref<1x128xi32, #tpu.memory_space<vmem>>
    %dma_start3A_116 = tpu.memref_squeeze %dma_start3A_115 : memref<1x128xi32, #tpu.memory_space<vmem>> -> memref<128xi32, #tpu.memory_space<vmem>>
    %dma_start3A_117 = arith.constant 0 : i32
    %dma_start3A_118 = arith.constant 0 : i32
    %dma_start3A_119 = tpu.memref_slice %arg3[%dma_start3A_117, %dma_start3A_118] : memref<2600000x16xf32, #tpu.memory_space<hbm>> -> memref<2600000x16xf32, #tpu.memory_space<hbm>>
    tpu.enqueue_indirect_dma source(%dma_start3A_119 : memref<2600000x16xf32, #tpu.memory_space<hbm>>) target(%dma_start3A_113 : memref<128x16xf32, #tpu.memory_space<vmem>>) offsets(%dma_start3A_116 : memref<128xi32, #tpu.memory_space<vmem>>) semaphore(%arg7 : memref<!tpu.dma_semaphore, #tpu.memory_space<semaphore_mem>>)
    %dma_start3A_120 = arith.constant 12 : i32
    %dma_start3A_121 = arith.constant 1536 : i32
    %dma_start3A_122 = arith.constant 0 : i32
    %dma_start3A_123 = tpu.memref_slice %arg6[%dma_start3A_121, %dma_start3A_122] : memref<3328x16xf32, #tpu.memory_space<vmem>> -> memref<128x16xf32, #tpu.memory_space<vmem>>
    %dma_start3A_124 = arith.constant 0 : i32
    %dma_start3A_125 = tpu.memref_slice %arg5[%dma_start3A_120, %dma_start3A_124] : memref<26x128xi32, #tpu.memory_space<vmem>> -> memref<1x128xi32, #tpu.memory_space<vmem>>
    %dma_start3A_126 = tpu.memref_squeeze %dma_start3A_125 : memref<1x128xi32, #tpu.memory_space<vmem>> -> memref<128xi32, #tpu.memory_space<vmem>>
    %dma_start3A_127 = arith.constant 0 : i32
    %dma_start3A_128 = arith.constant 0 : i32
    %dma_start3A_129 = tpu.memref_slice %arg3[%dma_start3A_127, %dma_start3A_128] : memref<2600000x16xf32, #tpu.memory_space<hbm>> -> memref<2600000x16xf32, #tpu.memory_space<hbm>>
    tpu.enqueue_indirect_dma source(%dma_start3A_129 : memref<2600000x16xf32, #tpu.memory_space<hbm>>) target(%dma_start3A_123 : memref<128x16xf32, #tpu.memory_space<vmem>>) offsets(%dma_start3A_126 : memref<128xi32, #tpu.memory_space<vmem>>) semaphore(%arg7 : memref<!tpu.dma_semaphore, #tpu.memory_space<semaphore_mem>>)
    %dma_start3A_130 = arith.constant 13 : i32
    %dma_start3A_131 = arith.constant 1664 : i32
    %dma_start3A_132 = arith.constant 0 : i32
    %dma_start3A_133 = tpu.memref_slice %arg6[%dma_start3A_131, %dma_start3A_132] : memref<3328x16xf32, #tpu.memory_space<vmem>> -> memref<128x16xf32, #tpu.memory_space<vmem>>
    %dma_start3A_134 = arith.constant 0 : i32
    %dma_start3A_135 = tpu.memref_slice %arg5[%dma_start3A_130, %dma_start3A_134] : memref<26x128xi32, #tpu.memory_space<vmem>> -> memref<1x128xi32, #tpu.memory_space<vmem>>
    %dma_start3A_136 = tpu.memref_squeeze %dma_start3A_135 : memref<1x128xi32, #tpu.memory_space<vmem>> -> memref<128xi32, #tpu.memory_space<vmem>>
    %dma_start3A_137 = arith.constant 0 : i32
    %dma_start3A_138 = arith.constant 0 : i32
    %dma_start3A_139 = tpu.memref_slice %arg3[%dma_start3A_137, %dma_start3A_138] : memref<2600000x16xf32, #tpu.memory_space<hbm>> -> memref<2600000x16xf32, #tpu.memory_space<hbm>>
    tpu.enqueue_indirect_dma source(%dma_start3A_139 : memref<2600000x16xf32, #tpu.memory_space<hbm>>) target(%dma_start3A_133 : memref<128x16xf32, #tpu.memory_space<vmem>>) offsets(%dma_start3A_136 : memref<128xi32, #tpu.memory_space<vmem>>) semaphore(%arg7 : memref<!tpu.dma_semaphore, #tpu.memory_space<semaphore_mem>>)
    %dma_start3A_140 = arith.constant 14 : i32
    %dma_start3A_141 = arith.constant 1792 : i32
    %dma_start3A_142 = arith.constant 0 : i32
    %dma_start3A_143 = tpu.memref_slice %arg6[%dma_start3A_141, %dma_start3A_142] : memref<3328x16xf32, #tpu.memory_space<vmem>> -> memref<128x16xf32, #tpu.memory_space<vmem>>
    %dma_start3A_144 = arith.constant 0 : i32
    %dma_start3A_145 = tpu.memref_slice %arg5[%dma_start3A_140, %dma_start3A_144] : memref<26x128xi32, #tpu.memory_space<vmem>> -> memref<1x128xi32, #tpu.memory_space<vmem>>
    %dma_start3A_146 = tpu.memref_squeeze %dma_start3A_145 : memref<1x128xi32, #tpu.memory_space<vmem>> -> memref<128xi32, #tpu.memory_space<vmem>>
    %dma_start3A_147 = arith.constant 0 : i32
    %dma_start3A_148 = arith.constant 0 : i32
    %dma_start3A_149 = tpu.memref_slice %arg3[%dma_start3A_147, %dma_start3A_148] : memref<2600000x16xf32, #tpu.memory_space<hbm>> -> memref<2600000x16xf32, #tpu.memory_space<hbm>>
    tpu.enqueue_indirect_dma source(%dma_start3A_149 : memref<2600000x16xf32, #tpu.memory_space<hbm>>) target(%dma_start3A_143 : memref<128x16xf32, #tpu.memory_space<vmem>>) offsets(%dma_start3A_146 : memref<128xi32, #tpu.memory_space<vmem>>) semaphore(%arg7 : memref<!tpu.dma_semaphore, #tpu.memory_space<semaphore_mem>>)
    %dma_start3A_150 = arith.constant 15 : i32
    %dma_start3A_151 = arith.constant 1920 : i32
    %dma_start3A_152 = arith.constant 0 : i32
    %dma_start3A_153 = tpu.memref_slice %arg6[%dma_start3A_151, %dma_start3A_152] : memref<3328x16xf32, #tpu.memory_space<vmem>> -> memref<128x16xf32, #tpu.memory_space<vmem>>
    %dma_start3A_154 = arith.constant 0 : i32
    %dma_start3A_155 = tpu.memref_slice %arg5[%dma_start3A_150, %dma_start3A_154] : memref<26x128xi32, #tpu.memory_space<vmem>> -> memref<1x128xi32, #tpu.memory_space<vmem>>
    %dma_start3A_156 = tpu.memref_squeeze %dma_start3A_155 : memref<1x128xi32, #tpu.memory_space<vmem>> -> memref<128xi32, #tpu.memory_space<vmem>>
    %dma_start3A_157 = arith.constant 0 : i32
    %dma_start3A_158 = arith.constant 0 : i32
    %dma_start3A_159 = tpu.memref_slice %arg3[%dma_start3A_157, %dma_start3A_158] : memref<2600000x16xf32, #tpu.memory_space<hbm>> -> memref<2600000x16xf32, #tpu.memory_space<hbm>>
    tpu.enqueue_indirect_dma source(%dma_start3A_159 : memref<2600000x16xf32, #tpu.memory_space<hbm>>) target(%dma_start3A_153 : memref<128x16xf32, #tpu.memory_space<vmem>>) offsets(%dma_start3A_156 : memref<128xi32, #tpu.memory_space<vmem>>) semaphore(%arg7 : memref<!tpu.dma_semaphore, #tpu.memory_space<semaphore_mem>>)
    %dma_start3A_160 = arith.constant 16 : i32
    %dma_start3A_161 = arith.constant 2048 : i32
    %dma_start3A_162 = arith.constant 0 : i32
    %dma_start3A_163 = tpu.memref_slice %arg6[%dma_start3A_161, %dma_start3A_162] : memref<3328x16xf32, #tpu.memory_space<vmem>> -> memref<128x16xf32, #tpu.memory_space<vmem>>
    %dma_start3A_164 = arith.constant 0 : i32
    %dma_start3A_165 = tpu.memref_slice %arg5[%dma_start3A_160, %dma_start3A_164] : memref<26x128xi32, #tpu.memory_space<vmem>> -> memref<1x128xi32, #tpu.memory_space<vmem>>
    %dma_start3A_166 = tpu.memref_squeeze %dma_start3A_165 : memref<1x128xi32, #tpu.memory_space<vmem>> -> memref<128xi32, #tpu.memory_space<vmem>>
    %dma_start3A_167 = arith.constant 0 : i32
    %dma_start3A_168 = arith.constant 0 : i32
    %dma_start3A_169 = tpu.memref_slice %arg3[%dma_start3A_167, %dma_start3A_168] : memref<2600000x16xf32, #tpu.memory_space<hbm>> -> memref<2600000x16xf32, #tpu.memory_space<hbm>>
    tpu.enqueue_indirect_dma source(%dma_start3A_169 : memref<2600000x16xf32, #tpu.memory_space<hbm>>) target(%dma_start3A_163 : memref<128x16xf32, #tpu.memory_space<vmem>>) offsets(%dma_start3A_166 : memref<128xi32, #tpu.memory_space<vmem>>) semaphore(%arg7 : memref<!tpu.dma_semaphore, #tpu.memory_space<semaphore_mem>>)
    %dma_start3A_170 = arith.constant 17 : i32
    %dma_start3A_171 = arith.constant 2176 : i32
    %dma_start3A_172 = arith.constant 0 : i32
    %dma_start3A_173 = tpu.memref_slice %arg6[%dma_start3A_171, %dma_start3A_172] : memref<3328x16xf32, #tpu.memory_space<vmem>> -> memref<128x16xf32, #tpu.memory_space<vmem>>
    %dma_start3A_174 = arith.constant 0 : i32
    %dma_start3A_175 = tpu.memref_slice %arg5[%dma_start3A_170, %dma_start3A_174] : memref<26x128xi32, #tpu.memory_space<vmem>> -> memref<1x128xi32, #tpu.memory_space<vmem>>
    %dma_start3A_176 = tpu.memref_squeeze %dma_start3A_175 : memref<1x128xi32, #tpu.memory_space<vmem>> -> memref<128xi32, #tpu.memory_space<vmem>>
    %dma_start3A_177 = arith.constant 0 : i32
    %dma_start3A_178 = arith.constant 0 : i32
    %dma_start3A_179 = tpu.memref_slice %arg3[%dma_start3A_177, %dma_start3A_178] : memref<2600000x16xf32, #tpu.memory_space<hbm>> -> memref<2600000x16xf32, #tpu.memory_space<hbm>>
    tpu.enqueue_indirect_dma source(%dma_start3A_179 : memref<2600000x16xf32, #tpu.memory_space<hbm>>) target(%dma_start3A_173 : memref<128x16xf32, #tpu.memory_space<vmem>>) offsets(%dma_start3A_176 : memref<128xi32, #tpu.memory_space<vmem>>) semaphore(%arg7 : memref<!tpu.dma_semaphore, #tpu.memory_space<semaphore_mem>>)
    %dma_start3A_180 = arith.constant 18 : i32
    %dma_start3A_181 = arith.constant 2304 : i32
    %dma_start3A_182 = arith.constant 0 : i32
    %dma_start3A_183 = tpu.memref_slice %arg6[%dma_start3A_181, %dma_start3A_182] : memref<3328x16xf32, #tpu.memory_space<vmem>> -> memref<128x16xf32, #tpu.memory_space<vmem>>
    %dma_start3A_184 = arith.constant 0 : i32
    %dma_start3A_185 = tpu.memref_slice %arg5[%dma_start3A_180, %dma_start3A_184] : memref<26x128xi32, #tpu.memory_space<vmem>> -> memref<1x128xi32, #tpu.memory_space<vmem>>
    %dma_start3A_186 = tpu.memref_squeeze %dma_start3A_185 : memref<1x128xi32, #tpu.memory_space<vmem>> -> memref<128xi32, #tpu.memory_space<vmem>>
    %dma_start3A_187 = arith.constant 0 : i32
    %dma_start3A_188 = arith.constant 0 : i32
    %dma_start3A_189 = tpu.memref_slice %arg3[%dma_start3A_187, %dma_start3A_188] : memref<2600000x16xf32, #tpu.memory_space<hbm>> -> memref<2600000x16xf32, #tpu.memory_space<hbm>>
    tpu.enqueue_indirect_dma source(%dma_start3A_189 : memref<2600000x16xf32, #tpu.memory_space<hbm>>) target(%dma_start3A_183 : memref<128x16xf32, #tpu.memory_space<vmem>>) offsets(%dma_start3A_186 : memref<128xi32, #tpu.memory_space<vmem>>) semaphore(%arg7 : memref<!tpu.dma_semaphore, #tpu.memory_space<semaphore_mem>>)
    %dma_start3A_190 = arith.constant 19 : i32
    %dma_start3A_191 = arith.constant 2432 : i32
    %dma_start3A_192 = arith.constant 0 : i32
    %dma_start3A_193 = tpu.memref_slice %arg6[%dma_start3A_191, %dma_start3A_192] : memref<3328x16xf32, #tpu.memory_space<vmem>> -> memref<128x16xf32, #tpu.memory_space<vmem>>
    %dma_start3A_194 = arith.constant 0 : i32
    %dma_start3A_195 = tpu.memref_slice %arg5[%dma_start3A_190, %dma_start3A_194] : memref<26x128xi32, #tpu.memory_space<vmem>> -> memref<1x128xi32, #tpu.memory_space<vmem>>
    %dma_start3A_196 = tpu.memref_squeeze %dma_start3A_195 : memref<1x128xi32, #tpu.memory_space<vmem>> -> memref<128xi32, #tpu.memory_space<vmem>>
    %dma_start3A_197 = arith.constant 0 : i32
    %dma_start3A_198 = arith.constant 0 : i32
    %dma_start3A_199 = tpu.memref_slice %arg3[%dma_start3A_197, %dma_start3A_198] : memref<2600000x16xf32, #tpu.memory_space<hbm>> -> memref<2600000x16xf32, #tpu.memory_space<hbm>>
    tpu.enqueue_indirect_dma source(%dma_start3A_199 : memref<2600000x16xf32, #tpu.memory_space<hbm>>) target(%dma_start3A_193 : memref<128x16xf32, #tpu.memory_space<vmem>>) offsets(%dma_start3A_196 : memref<128xi32, #tpu.memory_space<vmem>>) semaphore(%arg7 : memref<!tpu.dma_semaphore, #tpu.memory_space<semaphore_mem>>)
    %dma_start3A_200 = arith.constant 20 : i32
    %dma_start3A_201 = arith.constant 2560 : i32
    %dma_start3A_202 = arith.constant 0 : i32
    %dma_start3A_203 = tpu.memref_slice %arg6[%dma_start3A_201, %dma_start3A_202] : memref<3328x16xf32, #tpu.memory_space<vmem>> -> memref<128x16xf32, #tpu.memory_space<vmem>>
    %dma_start3A_204 = arith.constant 0 : i32
    %dma_start3A_205 = tpu.memref_slice %arg5[%dma_start3A_200, %dma_start3A_204] : memref<26x128xi32, #tpu.memory_space<vmem>> -> memref<1x128xi32, #tpu.memory_space<vmem>>
    %dma_start3A_206 = tpu.memref_squeeze %dma_start3A_205 : memref<1x128xi32, #tpu.memory_space<vmem>> -> memref<128xi32, #tpu.memory_space<vmem>>
    %dma_start3A_207 = arith.constant 0 : i32
    %dma_start3A_208 = arith.constant 0 : i32
    %dma_start3A_209 = tpu.memref_slice %arg3[%dma_start3A_207, %dma_start3A_208] : memref<2600000x16xf32, #tpu.memory_space<hbm>> -> memref<2600000x16xf32, #tpu.memory_space<hbm>>
    tpu.enqueue_indirect_dma source(%dma_start3A_209 : memref<2600000x16xf32, #tpu.memory_space<hbm>>) target(%dma_start3A_203 : memref<128x16xf32, #tpu.memory_space<vmem>>) offsets(%dma_start3A_206 : memref<128xi32, #tpu.memory_space<vmem>>) semaphore(%arg7 : memref<!tpu.dma_semaphore, #tpu.memory_space<semaphore_mem>>)
    %dma_start3A_210 = arith.constant 21 : i32
    %dma_start3A_211 = arith.constant 2688 : i32
    %dma_start3A_212 = arith.constant 0 : i32
    %dma_start3A_213 = tpu.memref_slice %arg6[%dma_start3A_211, %dma_start3A_212] : memref<3328x16xf32, #tpu.memory_space<vmem>> -> memref<128x16xf32, #tpu.memory_space<vmem>>
    %dma_start3A_214 = arith.constant 0 : i32
    %dma_start3A_215 = tpu.memref_slice %arg5[%dma_start3A_210, %dma_start3A_214] : memref<26x128xi32, #tpu.memory_space<vmem>> -> memref<1x128xi32, #tpu.memory_space<vmem>>
    %dma_start3A_216 = tpu.memref_squeeze %dma_start3A_215 : memref<1x128xi32, #tpu.memory_space<vmem>> -> memref<128xi32, #tpu.memory_space<vmem>>
    %dma_start3A_217 = arith.constant 0 : i32
    %dma_start3A_218 = arith.constant 0 : i32
    %dma_start3A_219 = tpu.memref_slice %arg3[%dma_start3A_217, %dma_start3A_218] : memref<2600000x16xf32, #tpu.memory_space<hbm>> -> memref<2600000x16xf32, #tpu.memory_space<hbm>>
    tpu.enqueue_indirect_dma source(%dma_start3A_219 : memref<2600000x16xf32, #tpu.memory_space<hbm>>) target(%dma_start3A_213 : memref<128x16xf32, #tpu.memory_space<vmem>>) offsets(%dma_start3A_216 : memref<128xi32, #tpu.memory_space<vmem>>) semaphore(%arg7 : memref<!tpu.dma_semaphore, #tpu.memory_space<semaphore_mem>>)
    %dma_start3A_220 = arith.constant 22 : i32
    %dma_start3A_221 = arith.constant 2816 : i32
    %dma_start3A_222 = arith.constant 0 : i32
    %dma_start3A_223 = tpu.memref_slice %arg6[%dma_start3A_221, %dma_start3A_222] : memref<3328x16xf32, #tpu.memory_space<vmem>> -> memref<128x16xf32, #tpu.memory_space<vmem>>
    %dma_start3A_224 = arith.constant 0 : i32
    %dma_start3A_225 = tpu.memref_slice %arg5[%dma_start3A_220, %dma_start3A_224] : memref<26x128xi32, #tpu.memory_space<vmem>> -> memref<1x128xi32, #tpu.memory_space<vmem>>
    %dma_start3A_226 = tpu.memref_squeeze %dma_start3A_225 : memref<1x128xi32, #tpu.memory_space<vmem>> -> memref<128xi32, #tpu.memory_space<vmem>>
    %dma_start3A_227 = arith.constant 0 : i32
    %dma_start3A_228 = arith.constant 0 : i32
    %dma_start3A_229 = tpu.memref_slice %arg3[%dma_start3A_227, %dma_start3A_228] : memref<2600000x16xf32, #tpu.memory_space<hbm>> -> memref<2600000x16xf32, #tpu.memory_space<hbm>>
    tpu.enqueue_indirect_dma source(%dma_start3A_229 : memref<2600000x16xf32, #tpu.memory_space<hbm>>) target(%dma_start3A_223 : memref<128x16xf32, #tpu.memory_space<vmem>>) offsets(%dma_start3A_226 : memref<128xi32, #tpu.memory_space<vmem>>) semaphore(%arg7 : memref<!tpu.dma_semaphore, #tpu.memory_space<semaphore_mem>>)
    %dma_start3A_230 = arith.constant 23 : i32
    %dma_start3A_231 = arith.constant 2944 : i32
    %dma_start3A_232 = arith.constant 0 : i32
    %dma_start3A_233 = tpu.memref_slice %arg6[%dma_start3A_231, %dma_start3A_232] : memref<3328x16xf32, #tpu.memory_space<vmem>> -> memref<128x16xf32, #tpu.memory_space<vmem>>
    %dma_start3A_234 = arith.constant 0 : i32
    %dma_start3A_235 = tpu.memref_slice %arg5[%dma_start3A_230, %dma_start3A_234] : memref<26x128xi32, #tpu.memory_space<vmem>> -> memref<1x128xi32, #tpu.memory_space<vmem>>
    %dma_start3A_236 = tpu.memref_squeeze %dma_start3A_235 : memref<1x128xi32, #tpu.memory_space<vmem>> -> memref<128xi32, #tpu.memory_space<vmem>>
    %dma_start3A_237 = arith.constant 0 : i32
    %dma_start3A_238 = arith.constant 0 : i32
    %dma_start3A_239 = tpu.memref_slice %arg3[%dma_start3A_237, %dma_start3A_238] : memref<2600000x16xf32, #tpu.memory_space<hbm>> -> memref<2600000x16xf32, #tpu.memory_space<hbm>>
    tpu.enqueue_indirect_dma source(%dma_start3A_239 : memref<2600000x16xf32, #tpu.memory_space<hbm>>) target(%dma_start3A_233 : memref<128x16xf32, #tpu.memory_space<vmem>>) offsets(%dma_start3A_236 : memref<128xi32, #tpu.memory_space<vmem>>) semaphore(%arg7 : memref<!tpu.dma_semaphore, #tpu.memory_space<semaphore_mem>>)
    %dma_start3A_240 = arith.constant 24 : i32
    %dma_start3A_241 = arith.constant 3072 : i32
    %dma_start3A_242 = arith.constant 0 : i32
    %dma_start3A_243 = tpu.memref_slice %arg6[%dma_start3A_241, %dma_start3A_242] : memref<3328x16xf32, #tpu.memory_space<vmem>> -> memref<128x16xf32, #tpu.memory_space<vmem>>
    %dma_start3A_244 = arith.constant 0 : i32
    %dma_start3A_245 = tpu.memref_slice %arg5[%dma_start3A_240, %dma_start3A_244] : memref<26x128xi32, #tpu.memory_space<vmem>> -> memref<1x128xi32, #tpu.memory_space<vmem>>
    %dma_start3A_246 = tpu.memref_squeeze %dma_start3A_245 : memref<1x128xi32, #tpu.memory_space<vmem>> -> memref<128xi32, #tpu.memory_space<vmem>>
    %dma_start3A_247 = arith.constant 0 : i32
    %dma_start3A_248 = arith.constant 0 : i32
    %dma_start3A_249 = tpu.memref_slice %arg3[%dma_start3A_247, %dma_start3A_248] : memref<2600000x16xf32, #tpu.memory_space<hbm>> -> memref<2600000x16xf32, #tpu.memory_space<hbm>>
    tpu.enqueue_indirect_dma source(%dma_start3A_249 : memref<2600000x16xf32, #tpu.memory_space<hbm>>) target(%dma_start3A_243 : memref<128x16xf32, #tpu.memory_space<vmem>>) offsets(%dma_start3A_246 : memref<128xi32, #tpu.memory_space<vmem>>) semaphore(%arg7 : memref<!tpu.dma_semaphore, #tpu.memory_space<semaphore_mem>>)
    %dma_start3A_250 = arith.constant 25 : i32
    %dma_start3A_251 = arith.constant 3200 : i32
    %dma_start3A_252 = arith.constant 0 : i32
    %dma_start3A_253 = tpu.memref_slice %arg6[%dma_start3A_251, %dma_start3A_252] : memref<3328x16xf32, #tpu.memory_space<vmem>> -> memref<128x16xf32, #tpu.memory_space<vmem>>
    %dma_start3A_254 = arith.constant 0 : i32
    %dma_start3A_255 = tpu.memref_slice %arg5[%dma_start3A_250, %dma_start3A_254] : memref<26x128xi32, #tpu.memory_space<vmem>> -> memref<1x128xi32, #tpu.memory_space<vmem>>
    %dma_start3A_256 = tpu.memref_squeeze %dma_start3A_255 : memref<1x128xi32, #tpu.memory_space<vmem>> -> memref<128xi32, #tpu.memory_space<vmem>>
    %dma_start3A_257 = arith.constant 0 : i32
    %dma_start3A_258 = arith.constant 0 : i32
    %dma_start3A_259 = tpu.memref_slice %arg3[%dma_start3A_257, %dma_start3A_258] : memref<2600000x16xf32, #tpu.memory_space<hbm>> -> memref<2600000x16xf32, #tpu.memory_space<hbm>>
    tpu.enqueue_indirect_dma source(%dma_start3A_259 : memref<2600000x16xf32, #tpu.memory_space<hbm>>) target(%dma_start3A_253 : memref<128x16xf32, #tpu.memory_space<vmem>>) offsets(%dma_start3A_256 : memref<128xi32, #tpu.memory_space<vmem>>) semaphore(%arg7 : memref<!tpu.dma_semaphore, #tpu.memory_space<semaphore_mem>>)
    %dma_wait3A = arith.constant 0 : i32
    %dma_wait3A_260 = arith.constant 0 : i32
    %dma_wait3A_261 = arith.constant 0 : i32
    %dma_wait3A_262 = tpu.memref_slice %arg6[%dma_wait3A_260, %dma_wait3A_261] : memref<3328x16xf32, #tpu.memory_space<vmem>> -> memref<128x16xf32, #tpu.memory_space<vmem>>
    %dma_wait3A_263 = arith.constant 0 : i32
    %dma_wait3A_264 = tpu.memref_slice %arg5[%dma_wait3A, %dma_wait3A_263] : memref<26x128xi32, #tpu.memory_space<vmem>> -> memref<1x128xi32, #tpu.memory_space<vmem>>
    %dma_wait3A_265 = tpu.memref_squeeze %dma_wait3A_264 : memref<1x128xi32, #tpu.memory_space<vmem>> -> memref<128xi32, #tpu.memory_space<vmem>>
    %dma_wait3A_266 = arith.constant 0 : i32
    %dma_wait3A_267 = arith.constant 0 : i32
    %dma_wait3A_268 = tpu.memref_slice %arg3[%dma_wait3A_266, %dma_wait3A_267] : memref<2600000x16xf32, #tpu.memory_space<hbm>> -> memref<2600000x16xf32, #tpu.memory_space<hbm>>
    tpu.wait_indirect_dma semaphore(%arg7 : memref<!tpu.dma_semaphore, #tpu.memory_space<semaphore_mem>>) src(%dma_wait3A_268 : memref<2600000x16xf32, #tpu.memory_space<hbm>>) dst(%dma_wait3A_262 : memref<128x16xf32, #tpu.memory_space<vmem>>)
    %dma_wait3A_269 = arith.constant 1 : i32
    %dma_wait3A_270 = arith.constant 128 : i32
    %dma_wait3A_271 = arith.constant 0 : i32
    %dma_wait3A_272 = tpu.memref_slice %arg6[%dma_wait3A_270, %dma_wait3A_271] : memref<3328x16xf32, #tpu.memory_space<vmem>> -> memref<128x16xf32, #tpu.memory_space<vmem>>
    %dma_wait3A_273 = arith.constant 0 : i32
    %dma_wait3A_274 = tpu.memref_slice %arg5[%dma_wait3A_269, %dma_wait3A_273] : memref<26x128xi32, #tpu.memory_space<vmem>> -> memref<1x128xi32, #tpu.memory_space<vmem>>
    %dma_wait3A_275 = tpu.memref_squeeze %dma_wait3A_274 : memref<1x128xi32, #tpu.memory_space<vmem>> -> memref<128xi32, #tpu.memory_space<vmem>>
    %dma_wait3A_276 = arith.constant 0 : i32
    %dma_wait3A_277 = arith.constant 0 : i32
    %dma_wait3A_278 = tpu.memref_slice %arg3[%dma_wait3A_276, %dma_wait3A_277] : memref<2600000x16xf32, #tpu.memory_space<hbm>> -> memref<2600000x16xf32, #tpu.memory_space<hbm>>
    tpu.wait_indirect_dma semaphore(%arg7 : memref<!tpu.dma_semaphore, #tpu.memory_space<semaphore_mem>>) src(%dma_wait3A_278 : memref<2600000x16xf32, #tpu.memory_space<hbm>>) dst(%dma_wait3A_272 : memref<128x16xf32, #tpu.memory_space<vmem>>)
    %dma_wait3A_279 = arith.constant 2 : i32
    %dma_wait3A_280 = arith.constant 256 : i32
    %dma_wait3A_281 = arith.constant 0 : i32
    %dma_wait3A_282 = tpu.memref_slice %arg6[%dma_wait3A_280, %dma_wait3A_281] : memref<3328x16xf32, #tpu.memory_space<vmem>> -> memref<128x16xf32, #tpu.memory_space<vmem>>
    %dma_wait3A_283 = arith.constant 0 : i32
    %dma_wait3A_284 = tpu.memref_slice %arg5[%dma_wait3A_279, %dma_wait3A_283] : memref<26x128xi32, #tpu.memory_space<vmem>> -> memref<1x128xi32, #tpu.memory_space<vmem>>
    %dma_wait3A_285 = tpu.memref_squeeze %dma_wait3A_284 : memref<1x128xi32, #tpu.memory_space<vmem>> -> memref<128xi32, #tpu.memory_space<vmem>>
    %dma_wait3A_286 = arith.constant 0 : i32
    %dma_wait3A_287 = arith.constant 0 : i32
    %dma_wait3A_288 = tpu.memref_slice %arg3[%dma_wait3A_286, %dma_wait3A_287] : memref<2600000x16xf32, #tpu.memory_space<hbm>> -> memref<2600000x16xf32, #tpu.memory_space<hbm>>
    tpu.wait_indirect_dma semaphore(%arg7 : memref<!tpu.dma_semaphore, #tpu.memory_space<semaphore_mem>>) src(%dma_wait3A_288 : memref<2600000x16xf32, #tpu.memory_space<hbm>>) dst(%dma_wait3A_282 : memref<128x16xf32, #tpu.memory_space<vmem>>)
    %dma_wait3A_289 = arith.constant 3 : i32
    %dma_wait3A_290 = arith.constant 384 : i32
    %dma_wait3A_291 = arith.constant 0 : i32
    %dma_wait3A_292 = tpu.memref_slice %arg6[%dma_wait3A_290, %dma_wait3A_291] : memref<3328x16xf32, #tpu.memory_space<vmem>> -> memref<128x16xf32, #tpu.memory_space<vmem>>
    %dma_wait3A_293 = arith.constant 0 : i32
    %dma_wait3A_294 = tpu.memref_slice %arg5[%dma_wait3A_289, %dma_wait3A_293] : memref<26x128xi32, #tpu.memory_space<vmem>> -> memref<1x128xi32, #tpu.memory_space<vmem>>
    %dma_wait3A_295 = tpu.memref_squeeze %dma_wait3A_294 : memref<1x128xi32, #tpu.memory_space<vmem>> -> memref<128xi32, #tpu.memory_space<vmem>>
    %dma_wait3A_296 = arith.constant 0 : i32
    %dma_wait3A_297 = arith.constant 0 : i32
    %dma_wait3A_298 = tpu.memref_slice %arg3[%dma_wait3A_296, %dma_wait3A_297] : memref<2600000x16xf32, #tpu.memory_space<hbm>> -> memref<2600000x16xf32, #tpu.memory_space<hbm>>
    tpu.wait_indirect_dma semaphore(%arg7 : memref<!tpu.dma_semaphore, #tpu.memory_space<semaphore_mem>>) src(%dma_wait3A_298 : memref<2600000x16xf32, #tpu.memory_space<hbm>>) dst(%dma_wait3A_292 : memref<128x16xf32, #tpu.memory_space<vmem>>)
    %dma_wait3A_299 = arith.constant 4 : i32
    %dma_wait3A_300 = arith.constant 512 : i32
    %dma_wait3A_301 = arith.constant 0 : i32
    %dma_wait3A_302 = tpu.memref_slice %arg6[%dma_wait3A_300, %dma_wait3A_301] : memref<3328x16xf32, #tpu.memory_space<vmem>> -> memref<128x16xf32, #tpu.memory_space<vmem>>
    %dma_wait3A_303 = arith.constant 0 : i32
    %dma_wait3A_304 = tpu.memref_slice %arg5[%dma_wait3A_299, %dma_wait3A_303] : memref<26x128xi32, #tpu.memory_space<vmem>> -> memref<1x128xi32, #tpu.memory_space<vmem>>
    %dma_wait3A_305 = tpu.memref_squeeze %dma_wait3A_304 : memref<1x128xi32, #tpu.memory_space<vmem>> -> memref<128xi32, #tpu.memory_space<vmem>>
    %dma_wait3A_306 = arith.constant 0 : i32
    %dma_wait3A_307 = arith.constant 0 : i32
    %dma_wait3A_308 = tpu.memref_slice %arg3[%dma_wait3A_306, %dma_wait3A_307] : memref<2600000x16xf32, #tpu.memory_space<hbm>> -> memref<2600000x16xf32, #tpu.memory_space<hbm>>
    tpu.wait_indirect_dma semaphore(%arg7 : memref<!tpu.dma_semaphore, #tpu.memory_space<semaphore_mem>>) src(%dma_wait3A_308 : memref<2600000x16xf32, #tpu.memory_space<hbm>>) dst(%dma_wait3A_302 : memref<128x16xf32, #tpu.memory_space<vmem>>)
    %dma_wait3A_309 = arith.constant 5 : i32
    %dma_wait3A_310 = arith.constant 640 : i32
    %dma_wait3A_311 = arith.constant 0 : i32
    %dma_wait3A_312 = tpu.memref_slice %arg6[%dma_wait3A_310, %dma_wait3A_311] : memref<3328x16xf32, #tpu.memory_space<vmem>> -> memref<128x16xf32, #tpu.memory_space<vmem>>
    %dma_wait3A_313 = arith.constant 0 : i32
    %dma_wait3A_314 = tpu.memref_slice %arg5[%dma_wait3A_309, %dma_wait3A_313] : memref<26x128xi32, #tpu.memory_space<vmem>> -> memref<1x128xi32, #tpu.memory_space<vmem>>
    %dma_wait3A_315 = tpu.memref_squeeze %dma_wait3A_314 : memref<1x128xi32, #tpu.memory_space<vmem>> -> memref<128xi32, #tpu.memory_space<vmem>>
    %dma_wait3A_316 = arith.constant 0 : i32
    %dma_wait3A_317 = arith.constant 0 : i32
    %dma_wait3A_318 = tpu.memref_slice %arg3[%dma_wait3A_316, %dma_wait3A_317] : memref<2600000x16xf32, #tpu.memory_space<hbm>> -> memref<2600000x16xf32, #tpu.memory_space<hbm>>
    tpu.wait_indirect_dma semaphore(%arg7 : memref<!tpu.dma_semaphore, #tpu.memory_space<semaphore_mem>>) src(%dma_wait3A_318 : memref<2600000x16xf32, #tpu.memory_space<hbm>>) dst(%dma_wait3A_312 : memref<128x16xf32, #tpu.memory_space<vmem>>)
    %dma_wait3A_319 = arith.constant 6 : i32
    %dma_wait3A_320 = arith.constant 768 : i32
    %dma_wait3A_321 = arith.constant 0 : i32
    %dma_wait3A_322 = tpu.memref_slice %arg6[%dma_wait3A_320, %dma_wait3A_321] : memref<3328x16xf32, #tpu.memory_space<vmem>> -> memref<128x16xf32, #tpu.memory_space<vmem>>
    %dma_wait3A_323 = arith.constant 0 : i32
    %dma_wait3A_324 = tpu.memref_slice %arg5[%dma_wait3A_319, %dma_wait3A_323] : memref<26x128xi32, #tpu.memory_space<vmem>> -> memref<1x128xi32, #tpu.memory_space<vmem>>
    %dma_wait3A_325 = tpu.memref_squeeze %dma_wait3A_324 : memref<1x128xi32, #tpu.memory_space<vmem>> -> memref<128xi32, #tpu.memory_space<vmem>>
    %dma_wait3A_326 = arith.constant 0 : i32
    %dma_wait3A_327 = arith.constant 0 : i32
    %dma_wait3A_328 = tpu.memref_slice %arg3[%dma_wait3A_326, %dma_wait3A_327] : memref<2600000x16xf32, #tpu.memory_space<hbm>> -> memref<2600000x16xf32, #tpu.memory_space<hbm>>
    tpu.wait_indirect_dma semaphore(%arg7 : memref<!tpu.dma_semaphore, #tpu.memory_space<semaphore_mem>>) src(%dma_wait3A_328 : memref<2600000x16xf32, #tpu.memory_space<hbm>>) dst(%dma_wait3A_322 : memref<128x16xf32, #tpu.memory_space<vmem>>)
    %dma_wait3A_329 = arith.constant 7 : i32
    %dma_wait3A_330 = arith.constant 896 : i32
    %dma_wait3A_331 = arith.constant 0 : i32
    %dma_wait3A_332 = tpu.memref_slice %arg6[%dma_wait3A_330, %dma_wait3A_331] : memref<3328x16xf32, #tpu.memory_space<vmem>> -> memref<128x16xf32, #tpu.memory_space<vmem>>
    %dma_wait3A_333 = arith.constant 0 : i32
    %dma_wait3A_334 = tpu.memref_slice %arg5[%dma_wait3A_329, %dma_wait3A_333] : memref<26x128xi32, #tpu.memory_space<vmem>> -> memref<1x128xi32, #tpu.memory_space<vmem>>
    %dma_wait3A_335 = tpu.memref_squeeze %dma_wait3A_334 : memref<1x128xi32, #tpu.memory_space<vmem>> -> memref<128xi32, #tpu.memory_space<vmem>>
    %dma_wait3A_336 = arith.constant 0 : i32
    %dma_wait3A_337 = arith.constant 0 : i32
    %dma_wait3A_338 = tpu.memref_slice %arg3[%dma_wait3A_336, %dma_wait3A_337] : memref<2600000x16xf32, #tpu.memory_space<hbm>> -> memref<2600000x16xf32, #tpu.memory_space<hbm>>
    tpu.wait_indirect_dma semaphore(%arg7 : memref<!tpu.dma_semaphore, #tpu.memory_space<semaphore_mem>>) src(%dma_wait3A_338 : memref<2600000x16xf32, #tpu.memory_space<hbm>>) dst(%dma_wait3A_332 : memref<128x16xf32, #tpu.memory_space<vmem>>)
    %dma_wait3A_339 = arith.constant 8 : i32
    %dma_wait3A_340 = arith.constant 1024 : i32
    %dma_wait3A_341 = arith.constant 0 : i32
    %dma_wait3A_342 = tpu.memref_slice %arg6[%dma_wait3A_340, %dma_wait3A_341] : memref<3328x16xf32, #tpu.memory_space<vmem>> -> memref<128x16xf32, #tpu.memory_space<vmem>>
    %dma_wait3A_343 = arith.constant 0 : i32
    %dma_wait3A_344 = tpu.memref_slice %arg5[%dma_wait3A_339, %dma_wait3A_343] : memref<26x128xi32, #tpu.memory_space<vmem>> -> memref<1x128xi32, #tpu.memory_space<vmem>>
    %dma_wait3A_345 = tpu.memref_squeeze %dma_wait3A_344 : memref<1x128xi32, #tpu.memory_space<vmem>> -> memref<128xi32, #tpu.memory_space<vmem>>
    %dma_wait3A_346 = arith.constant 0 : i32
    %dma_wait3A_347 = arith.constant 0 : i32
    %dma_wait3A_348 = tpu.memref_slice %arg3[%dma_wait3A_346, %dma_wait3A_347] : memref<2600000x16xf32, #tpu.memory_space<hbm>> -> memref<2600000x16xf32, #tpu.memory_space<hbm>>
    tpu.wait_indirect_dma semaphore(%arg7 : memref<!tpu.dma_semaphore, #tpu.memory_space<semaphore_mem>>) src(%dma_wait3A_348 : memref<2600000x16xf32, #tpu.memory_space<hbm>>) dst(%dma_wait3A_342 : memref<128x16xf32, #tpu.memory_space<vmem>>)
    %dma_wait3A_349 = arith.constant 9 : i32
    %dma_wait3A_350 = arith.constant 1152 : i32
    %dma_wait3A_351 = arith.constant 0 : i32
    %dma_wait3A_352 = tpu.memref_slice %arg6[%dma_wait3A_350, %dma_wait3A_351] : memref<3328x16xf32, #tpu.memory_space<vmem>> -> memref<128x16xf32, #tpu.memory_space<vmem>>
    %dma_wait3A_353 = arith.constant 0 : i32
    %dma_wait3A_354 = tpu.memref_slice %arg5[%dma_wait3A_349, %dma_wait3A_353] : memref<26x128xi32, #tpu.memory_space<vmem>> -> memref<1x128xi32, #tpu.memory_space<vmem>>
    %dma_wait3A_355 = tpu.memref_squeeze %dma_wait3A_354 : memref<1x128xi32, #tpu.memory_space<vmem>> -> memref<128xi32, #tpu.memory_space<vmem>>
    %dma_wait3A_356 = arith.constant 0 : i32
    %dma_wait3A_357 = arith.constant 0 : i32
    %dma_wait3A_358 = tpu.memref_slice %arg3[%dma_wait3A_356, %dma_wait3A_357] : memref<2600000x16xf32, #tpu.memory_space<hbm>> -> memref<2600000x16xf32, #tpu.memory_space<hbm>>
    tpu.wait_indirect_dma semaphore(%arg7 : memref<!tpu.dma_semaphore, #tpu.memory_space<semaphore_mem>>) src(%dma_wait3A_358 : memref<2600000x16xf32, #tpu.memory_space<hbm>>) dst(%dma_wait3A_352 : memref<128x16xf32, #tpu.memory_space<vmem>>)
    %dma_wait3A_359 = arith.constant 10 : i32
    %dma_wait3A_360 = arith.constant 1280 : i32
    %dma_wait3A_361 = arith.constant 0 : i32
    %dma_wait3A_362 = tpu.memref_slice %arg6[%dma_wait3A_360, %dma_wait3A_361] : memref<3328x16xf32, #tpu.memory_space<vmem>> -> memref<128x16xf32, #tpu.memory_space<vmem>>
    %dma_wait3A_363 = arith.constant 0 : i32
    %dma_wait3A_364 = tpu.memref_slice %arg5[%dma_wait3A_359, %dma_wait3A_363] : memref<26x128xi32, #tpu.memory_space<vmem>> -> memref<1x128xi32, #tpu.memory_space<vmem>>
    %dma_wait3A_365 = tpu.memref_squeeze %dma_wait3A_364 : memref<1x128xi32, #tpu.memory_space<vmem>> -> memref<128xi32, #tpu.memory_space<vmem>>
    %dma_wait3A_366 = arith.constant 0 : i32
    %dma_wait3A_367 = arith.constant 0 : i32
    %dma_wait3A_368 = tpu.memref_slice %arg3[%dma_wait3A_366, %dma_wait3A_367] : memref<2600000x16xf32, #tpu.memory_space<hbm>> -> memref<2600000x16xf32, #tpu.memory_space<hbm>>
    tpu.wait_indirect_dma semaphore(%arg7 : memref<!tpu.dma_semaphore, #tpu.memory_space<semaphore_mem>>) src(%dma_wait3A_368 : memref<2600000x16xf32, #tpu.memory_space<hbm>>) dst(%dma_wait3A_362 : memref<128x16xf32, #tpu.memory_space<vmem>>)
    %dma_wait3A_369 = arith.constant 11 : i32
    %dma_wait3A_370 = arith.constant 1408 : i32
    %dma_wait3A_371 = arith.constant 0 : i32
    %dma_wait3A_372 = tpu.memref_slice %arg6[%dma_wait3A_370, %dma_wait3A_371] : memref<3328x16xf32, #tpu.memory_space<vmem>> -> memref<128x16xf32, #tpu.memory_space<vmem>>
    %dma_wait3A_373 = arith.constant 0 : i32
    %dma_wait3A_374 = tpu.memref_slice %arg5[%dma_wait3A_369, %dma_wait3A_373] : memref<26x128xi32, #tpu.memory_space<vmem>> -> memref<1x128xi32, #tpu.memory_space<vmem>>
    %dma_wait3A_375 = tpu.memref_squeeze %dma_wait3A_374 : memref<1x128xi32, #tpu.memory_space<vmem>> -> memref<128xi32, #tpu.memory_space<vmem>>
    %dma_wait3A_376 = arith.constant 0 : i32
    %dma_wait3A_377 = arith.constant 0 : i32
    %dma_wait3A_378 = tpu.memref_slice %arg3[%dma_wait3A_376, %dma_wait3A_377] : memref<2600000x16xf32, #tpu.memory_space<hbm>> -> memref<2600000x16xf32, #tpu.memory_space<hbm>>
    tpu.wait_indirect_dma semaphore(%arg7 : memref<!tpu.dma_semaphore, #tpu.memory_space<semaphore_mem>>) src(%dma_wait3A_378 : memref<2600000x16xf32, #tpu.memory_space<hbm>>) dst(%dma_wait3A_372 : memref<128x16xf32, #tpu.memory_space<vmem>>)
    %dma_wait3A_379 = arith.constant 12 : i32
    %dma_wait3A_380 = arith.constant 1536 : i32
    %dma_wait3A_381 = arith.constant 0 : i32
    %dma_wait3A_382 = tpu.memref_slice %arg6[%dma_wait3A_380, %dma_wait3A_381] : memref<3328x16xf32, #tpu.memory_space<vmem>> -> memref<128x16xf32, #tpu.memory_space<vmem>>
    %dma_wait3A_383 = arith.constant 0 : i32
    %dma_wait3A_384 = tpu.memref_slice %arg5[%dma_wait3A_379, %dma_wait3A_383] : memref<26x128xi32, #tpu.memory_space<vmem>> -> memref<1x128xi32, #tpu.memory_space<vmem>>
    %dma_wait3A_385 = tpu.memref_squeeze %dma_wait3A_384 : memref<1x128xi32, #tpu.memory_space<vmem>> -> memref<128xi32, #tpu.memory_space<vmem>>
    %dma_wait3A_386 = arith.constant 0 : i32
    %dma_wait3A_387 = arith.constant 0 : i32
    %dma_wait3A_388 = tpu.memref_slice %arg3[%dma_wait3A_386, %dma_wait3A_387] : memref<2600000x16xf32, #tpu.memory_space<hbm>> -> memref<2600000x16xf32, #tpu.memory_space<hbm>>
    tpu.wait_indirect_dma semaphore(%arg7 : memref<!tpu.dma_semaphore, #tpu.memory_space<semaphore_mem>>) src(%dma_wait3A_388 : memref<2600000x16xf32, #tpu.memory_space<hbm>>) dst(%dma_wait3A_382 : memref<128x16xf32, #tpu.memory_space<vmem>>)
    %dma_wait3A_389 = arith.constant 13 : i32
    %dma_wait3A_390 = arith.constant 1664 : i32
    %dma_wait3A_391 = arith.constant 0 : i32
    %dma_wait3A_392 = tpu.memref_slice %arg6[%dma_wait3A_390, %dma_wait3A_391] : memref<3328x16xf32, #tpu.memory_space<vmem>> -> memref<128x16xf32, #tpu.memory_space<vmem>>
    %dma_wait3A_393 = arith.constant 0 : i32
    %dma_wait3A_394 = tpu.memref_slice %arg5[%dma_wait3A_389, %dma_wait3A_393] : memref<26x128xi32, #tpu.memory_space<vmem>> -> memref<1x128xi32, #tpu.memory_space<vmem>>
    %dma_wait3A_395 = tpu.memref_squeeze %dma_wait3A_394 : memref<1x128xi32, #tpu.memory_space<vmem>> -> memref<128xi32, #tpu.memory_space<vmem>>
    %dma_wait3A_396 = arith.constant 0 : i32
    %dma_wait3A_397 = arith.constant 0 : i32
    %dma_wait3A_398 = tpu.memref_slice %arg3[%dma_wait3A_396, %dma_wait3A_397] : memref<2600000x16xf32, #tpu.memory_space<hbm>> -> memref<2600000x16xf32, #tpu.memory_space<hbm>>
    tpu.wait_indirect_dma semaphore(%arg7 : memref<!tpu.dma_semaphore, #tpu.memory_space<semaphore_mem>>) src(%dma_wait3A_398 : memref<2600000x16xf32, #tpu.memory_space<hbm>>) dst(%dma_wait3A_392 : memref<128x16xf32, #tpu.memory_space<vmem>>)
    %dma_wait3A_399 = arith.constant 14 : i32
    %dma_wait3A_400 = arith.constant 1792 : i32
    %dma_wait3A_401 = arith.constant 0 : i32
    %dma_wait3A_402 = tpu.memref_slice %arg6[%dma_wait3A_400, %dma_wait3A_401] : memref<3328x16xf32, #tpu.memory_space<vmem>> -> memref<128x16xf32, #tpu.memory_space<vmem>>
    %dma_wait3A_403 = arith.constant 0 : i32
    %dma_wait3A_404 = tpu.memref_slice %arg5[%dma_wait3A_399, %dma_wait3A_403] : memref<26x128xi32, #tpu.memory_space<vmem>> -> memref<1x128xi32, #tpu.memory_space<vmem>>
    %dma_wait3A_405 = tpu.memref_squeeze %dma_wait3A_404 : memref<1x128xi32, #tpu.memory_space<vmem>> -> memref<128xi32, #tpu.memory_space<vmem>>
    %dma_wait3A_406 = arith.constant 0 : i32
    %dma_wait3A_407 = arith.constant 0 : i32
    %dma_wait3A_408 = tpu.memref_slice %arg3[%dma_wait3A_406, %dma_wait3A_407] : memref<2600000x16xf32, #tpu.memory_space<hbm>> -> memref<2600000x16xf32, #tpu.memory_space<hbm>>
    tpu.wait_indirect_dma semaphore(%arg7 : memref<!tpu.dma_semaphore, #tpu.memory_space<semaphore_mem>>) src(%dma_wait3A_408 : memref<2600000x16xf32, #tpu.memory_space<hbm>>) dst(%dma_wait3A_402 : memref<128x16xf32, #tpu.memory_space<vmem>>)
    %dma_wait3A_409 = arith.constant 15 : i32
    %dma_wait3A_410 = arith.constant 1920 : i32
    %dma_wait3A_411 = arith.constant 0 : i32
    %dma_wait3A_412 = tpu.memref_slice %arg6[%dma_wait3A_410, %dma_wait3A_411] : memref<3328x16xf32, #tpu.memory_space<vmem>> -> memref<128x16xf32, #tpu.memory_space<vmem>>
    %dma_wait3A_413 = arith.constant 0 : i32
    %dma_wait3A_414 = tpu.memref_slice %arg5[%dma_wait3A_409, %dma_wait3A_413] : memref<26x128xi32, #tpu.memory_space<vmem>> -> memref<1x128xi32, #tpu.memory_space<vmem>>
    %dma_wait3A_415 = tpu.memref_squeeze %dma_wait3A_414 : memref<1x128xi32, #tpu.memory_space<vmem>> -> memref<128xi32, #tpu.memory_space<vmem>>
    %dma_wait3A_416 = arith.constant 0 : i32
    %dma_wait3A_417 = arith.constant 0 : i32
    %dma_wait3A_418 = tpu.memref_slice %arg3[%dma_wait3A_416, %dma_wait3A_417] : memref<2600000x16xf32, #tpu.memory_space<hbm>> -> memref<2600000x16xf32, #tpu.memory_space<hbm>>
    tpu.wait_indirect_dma semaphore(%arg7 : memref<!tpu.dma_semaphore, #tpu.memory_space<semaphore_mem>>) src(%dma_wait3A_418 : memref<2600000x16xf32, #tpu.memory_space<hbm>>) dst(%dma_wait3A_412 : memref<128x16xf32, #tpu.memory_space<vmem>>)
    %dma_wait3A_419 = arith.constant 16 : i32
    %dma_wait3A_420 = arith.constant 2048 : i32
    %dma_wait3A_421 = arith.constant 0 : i32
    %dma_wait3A_422 = tpu.memref_slice %arg6[%dma_wait3A_420, %dma_wait3A_421] : memref<3328x16xf32, #tpu.memory_space<vmem>> -> memref<128x16xf32, #tpu.memory_space<vmem>>
    %dma_wait3A_423 = arith.constant 0 : i32
    %dma_wait3A_424 = tpu.memref_slice %arg5[%dma_wait3A_419, %dma_wait3A_423] : memref<26x128xi32, #tpu.memory_space<vmem>> -> memref<1x128xi32, #tpu.memory_space<vmem>>
    %dma_wait3A_425 = tpu.memref_squeeze %dma_wait3A_424 : memref<1x128xi32, #tpu.memory_space<vmem>> -> memref<128xi32, #tpu.memory_space<vmem>>
    %dma_wait3A_426 = arith.constant 0 : i32
    %dma_wait3A_427 = arith.constant 0 : i32
    %dma_wait3A_428 = tpu.memref_slice %arg3[%dma_wait3A_426, %dma_wait3A_427] : memref<2600000x16xf32, #tpu.memory_space<hbm>> -> memref<2600000x16xf32, #tpu.memory_space<hbm>>
    tpu.wait_indirect_dma semaphore(%arg7 : memref<!tpu.dma_semaphore, #tpu.memory_space<semaphore_mem>>) src(%dma_wait3A_428 : memref<2600000x16xf32, #tpu.memory_space<hbm>>) dst(%dma_wait3A_422 : memref<128x16xf32, #tpu.memory_space<vmem>>)
    %dma_wait3A_429 = arith.constant 17 : i32
    %dma_wait3A_430 = arith.constant 2176 : i32
    %dma_wait3A_431 = arith.constant 0 : i32
    %dma_wait3A_432 = tpu.memref_slice %arg6[%dma_wait3A_430, %dma_wait3A_431] : memref<3328x16xf32, #tpu.memory_space<vmem>> -> memref<128x16xf32, #tpu.memory_space<vmem>>
    %dma_wait3A_433 = arith.constant 0 : i32
    %dma_wait3A_434 = tpu.memref_slice %arg5[%dma_wait3A_429, %dma_wait3A_433] : memref<26x128xi32, #tpu.memory_space<vmem>> -> memref<1x128xi32, #tpu.memory_space<vmem>>
    %dma_wait3A_435 = tpu.memref_squeeze %dma_wait3A_434 : memref<1x128xi32, #tpu.memory_space<vmem>> -> memref<128xi32, #tpu.memory_space<vmem>>
    %dma_wait3A_436 = arith.constant 0 : i32
    %dma_wait3A_437 = arith.constant 0 : i32
    %dma_wait3A_438 = tpu.memref_slice %arg3[%dma_wait3A_436, %dma_wait3A_437] : memref<2600000x16xf32, #tpu.memory_space<hbm>> -> memref<2600000x16xf32, #tpu.memory_space<hbm>>
    tpu.wait_indirect_dma semaphore(%arg7 : memref<!tpu.dma_semaphore, #tpu.memory_space<semaphore_mem>>) src(%dma_wait3A_438 : memref<2600000x16xf32, #tpu.memory_space<hbm>>) dst(%dma_wait3A_432 : memref<128x16xf32, #tpu.memory_space<vmem>>)
    %dma_wait3A_439 = arith.constant 18 : i32
    %dma_wait3A_440 = arith.constant 2304 : i32
    %dma_wait3A_441 = arith.constant 0 : i32
    %dma_wait3A_442 = tpu.memref_slice %arg6[%dma_wait3A_440, %dma_wait3A_441] : memref<3328x16xf32, #tpu.memory_space<vmem>> -> memref<128x16xf32, #tpu.memory_space<vmem>>
    %dma_wait3A_443 = arith.constant 0 : i32
    %dma_wait3A_444 = tpu.memref_slice %arg5[%dma_wait3A_439, %dma_wait3A_443] : memref<26x128xi32, #tpu.memory_space<vmem>> -> memref<1x128xi32, #tpu.memory_space<vmem>>
    %dma_wait3A_445 = tpu.memref_squeeze %dma_wait3A_444 : memref<1x128xi32, #tpu.memory_space<vmem>> -> memref<128xi32, #tpu.memory_space<vmem>>
    %dma_wait3A_446 = arith.constant 0 : i32
    %dma_wait3A_447 = arith.constant 0 : i32
    %dma_wait3A_448 = tpu.memref_slice %arg3[%dma_wait3A_446, %dma_wait3A_447] : memref<2600000x16xf32, #tpu.memory_space<hbm>> -> memref<2600000x16xf32, #tpu.memory_space<hbm>>
    tpu.wait_indirect_dma semaphore(%arg7 : memref<!tpu.dma_semaphore, #tpu.memory_space<semaphore_mem>>) src(%dma_wait3A_448 : memref<2600000x16xf32, #tpu.memory_space<hbm>>) dst(%dma_wait3A_442 : memref<128x16xf32, #tpu.memory_space<vmem>>)
    %dma_wait3A_449 = arith.constant 19 : i32
    %dma_wait3A_450 = arith.constant 2432 : i32
    %dma_wait3A_451 = arith.constant 0 : i32
    %dma_wait3A_452 = tpu.memref_slice %arg6[%dma_wait3A_450, %dma_wait3A_451] : memref<3328x16xf32, #tpu.memory_space<vmem>> -> memref<128x16xf32, #tpu.memory_space<vmem>>
    %dma_wait3A_453 = arith.constant 0 : i32
    %dma_wait3A_454 = tpu.memref_slice %arg5[%dma_wait3A_449, %dma_wait3A_453] : memref<26x128xi32, #tpu.memory_space<vmem>> -> memref<1x128xi32, #tpu.memory_space<vmem>>
    %dma_wait3A_455 = tpu.memref_squeeze %dma_wait3A_454 : memref<1x128xi32, #tpu.memory_space<vmem>> -> memref<128xi32, #tpu.memory_space<vmem>>
    %dma_wait3A_456 = arith.constant 0 : i32
    %dma_wait3A_457 = arith.constant 0 : i32
    %dma_wait3A_458 = tpu.memref_slice %arg3[%dma_wait3A_456, %dma_wait3A_457] : memref<2600000x16xf32, #tpu.memory_space<hbm>> -> memref<2600000x16xf32, #tpu.memory_space<hbm>>
    tpu.wait_indirect_dma semaphore(%arg7 : memref<!tpu.dma_semaphore, #tpu.memory_space<semaphore_mem>>) src(%dma_wait3A_458 : memref<2600000x16xf32, #tpu.memory_space<hbm>>) dst(%dma_wait3A_452 : memref<128x16xf32, #tpu.memory_space<vmem>>)
    %dma_wait3A_459 = arith.constant 20 : i32
    %dma_wait3A_460 = arith.constant 2560 : i32
    %dma_wait3A_461 = arith.constant 0 : i32
    %dma_wait3A_462 = tpu.memref_slice %arg6[%dma_wait3A_460, %dma_wait3A_461] : memref<3328x16xf32, #tpu.memory_space<vmem>> -> memref<128x16xf32, #tpu.memory_space<vmem>>
    %dma_wait3A_463 = arith.constant 0 : i32
    %dma_wait3A_464 = tpu.memref_slice %arg5[%dma_wait3A_459, %dma_wait3A_463] : memref<26x128xi32, #tpu.memory_space<vmem>> -> memref<1x128xi32, #tpu.memory_space<vmem>>
    %dma_wait3A_465 = tpu.memref_squeeze %dma_wait3A_464 : memref<1x128xi32, #tpu.memory_space<vmem>> -> memref<128xi32, #tpu.memory_space<vmem>>
    %dma_wait3A_466 = arith.constant 0 : i32
    %dma_wait3A_467 = arith.constant 0 : i32
    %dma_wait3A_468 = tpu.memref_slice %arg3[%dma_wait3A_466, %dma_wait3A_467] : memref<2600000x16xf32, #tpu.memory_space<hbm>> -> memref<2600000x16xf32, #tpu.memory_space<hbm>>
    tpu.wait_indirect_dma semaphore(%arg7 : memref<!tpu.dma_semaphore, #tpu.memory_space<semaphore_mem>>) src(%dma_wait3A_468 : memref<2600000x16xf32, #tpu.memory_space<hbm>>) dst(%dma_wait3A_462 : memref<128x16xf32, #tpu.memory_space<vmem>>)
    %dma_wait3A_469 = arith.constant 21 : i32
    %dma_wait3A_470 = arith.constant 2688 : i32
    %dma_wait3A_471 = arith.constant 0 : i32
    %dma_wait3A_472 = tpu.memref_slice %arg6[%dma_wait3A_470, %dma_wait3A_471] : memref<3328x16xf32, #tpu.memory_space<vmem>> -> memref<128x16xf32, #tpu.memory_space<vmem>>
    %dma_wait3A_473 = arith.constant 0 : i32
    %dma_wait3A_474 = tpu.memref_slice %arg5[%dma_wait3A_469, %dma_wait3A_473] : memref<26x128xi32, #tpu.memory_space<vmem>> -> memref<1x128xi32, #tpu.memory_space<vmem>>
    %dma_wait3A_475 = tpu.memref_squeeze %dma_wait3A_474 : memref<1x128xi32, #tpu.memory_space<vmem>> -> memref<128xi32, #tpu.memory_space<vmem>>
    %dma_wait3A_476 = arith.constant 0 : i32
    %dma_wait3A_477 = arith.constant 0 : i32
    %dma_wait3A_478 = tpu.memref_slice %arg3[%dma_wait3A_476, %dma_wait3A_477] : memref<2600000x16xf32, #tpu.memory_space<hbm>> -> memref<2600000x16xf32, #tpu.memory_space<hbm>>
    tpu.wait_indirect_dma semaphore(%arg7 : memref<!tpu.dma_semaphore, #tpu.memory_space<semaphore_mem>>) src(%dma_wait3A_478 : memref<2600000x16xf32, #tpu.memory_space<hbm>>) dst(%dma_wait3A_472 : memref<128x16xf32, #tpu.memory_space<vmem>>)
    %dma_wait3A_479 = arith.constant 22 : i32
    %dma_wait3A_480 = arith.constant 2816 : i32
    %dma_wait3A_481 = arith.constant 0 : i32
    %dma_wait3A_482 = tpu.memref_slice %arg6[%dma_wait3A_480, %dma_wait3A_481] : memref<3328x16xf32, #tpu.memory_space<vmem>> -> memref<128x16xf32, #tpu.memory_space<vmem>>
    %dma_wait3A_483 = arith.constant 0 : i32
    %dma_wait3A_484 = tpu.memref_slice %arg5[%dma_wait3A_479, %dma_wait3A_483] : memref<26x128xi32, #tpu.memory_space<vmem>> -> memref<1x128xi32, #tpu.memory_space<vmem>>
    %dma_wait3A_485 = tpu.memref_squeeze %dma_wait3A_484 : memref<1x128xi32, #tpu.memory_space<vmem>> -> memref<128xi32, #tpu.memory_space<vmem>>
    %dma_wait3A_486 = arith.constant 0 : i32
    %dma_wait3A_487 = arith.constant 0 : i32
    %dma_wait3A_488 = tpu.memref_slice %arg3[%dma_wait3A_486, %dma_wait3A_487] : memref<2600000x16xf32, #tpu.memory_space<hbm>> -> memref<2600000x16xf32, #tpu.memory_space<hbm>>
    tpu.wait_indirect_dma semaphore(%arg7 : memref<!tpu.dma_semaphore, #tpu.memory_space<semaphore_mem>>) src(%dma_wait3A_488 : memref<2600000x16xf32, #tpu.memory_space<hbm>>) dst(%dma_wait3A_482 : memref<128x16xf32, #tpu.memory_space<vmem>>)
    %dma_wait3A_489 = arith.constant 23 : i32
    %dma_wait3A_490 = arith.constant 2944 : i32
    %dma_wait3A_491 = arith.constant 0 : i32
    %dma_wait3A_492 = tpu.memref_slice %arg6[%dma_wait3A_490, %dma_wait3A_491] : memref<3328x16xf32, #tpu.memory_space<vmem>> -> memref<128x16xf32, #tpu.memory_space<vmem>>
    %dma_wait3A_493 = arith.constant 0 : i32
    %dma_wait3A_494 = tpu.memref_slice %arg5[%dma_wait3A_489, %dma_wait3A_493] : memref<26x128xi32, #tpu.memory_space<vmem>> -> memref<1x128xi32, #tpu.memory_space<vmem>>
    %dma_wait3A_495 = tpu.memref_squeeze %dma_wait3A_494 : memref<1x128xi32, #tpu.memory_space<vmem>> -> memref<128xi32, #tpu.memory_space<vmem>>
    %dma_wait3A_496 = arith.constant 0 : i32
    %dma_wait3A_497 = arith.constant 0 : i32
    %dma_wait3A_498 = tpu.memref_slice %arg3[%dma_wait3A_496, %dma_wait3A_497] : memref<2600000x16xf32, #tpu.memory_space<hbm>> -> memref<2600000x16xf32, #tpu.memory_space<hbm>>
    tpu.wait_indirect_dma semaphore(%arg7 : memref<!tpu.dma_semaphore, #tpu.memory_space<semaphore_mem>>) src(%dma_wait3A_498 : memref<2600000x16xf32, #tpu.memory_space<hbm>>) dst(%dma_wait3A_492 : memref<128x16xf32, #tpu.memory_space<vmem>>)
    %dma_wait3A_499 = arith.constant 24 : i32
    %dma_wait3A_500 = arith.constant 3072 : i32
    %dma_wait3A_501 = arith.constant 0 : i32
    %dma_wait3A_502 = tpu.memref_slice %arg6[%dma_wait3A_500, %dma_wait3A_501] : memref<3328x16xf32, #tpu.memory_space<vmem>> -> memref<128x16xf32, #tpu.memory_space<vmem>>
    %dma_wait3A_503 = arith.constant 0 : i32
    %dma_wait3A_504 = tpu.memref_slice %arg5[%dma_wait3A_499, %dma_wait3A_503] : memref<26x128xi32, #tpu.memory_space<vmem>> -> memref<1x128xi32, #tpu.memory_space<vmem>>
    %dma_wait3A_505 = tpu.memref_squeeze %dma_wait3A_504 : memref<1x128xi32, #tpu.memory_space<vmem>> -> memref<128xi32, #tpu.memory_space<vmem>>
    %dma_wait3A_506 = arith.constant 0 : i32
    %dma_wait3A_507 = arith.constant 0 : i32
    %dma_wait3A_508 = tpu.memref_slice %arg3[%dma_wait3A_506, %dma_wait3A_507] : memref<2600000x16xf32, #tpu.memory_space<hbm>> -> memref<2600000x16xf32, #tpu.memory_space<hbm>>
    tpu.wait_indirect_dma semaphore(%arg7 : memref<!tpu.dma_semaphore, #tpu.memory_space<semaphore_mem>>) src(%dma_wait3A_508 : memref<2600000x16xf32, #tpu.memory_space<hbm>>) dst(%dma_wait3A_502 : memref<128x16xf32, #tpu.memory_space<vmem>>)
    %dma_wait3A_509 = arith.constant 25 : i32
    %dma_wait3A_510 = arith.constant 3200 : i32
    %dma_wait3A_511 = arith.constant 0 : i32
    %dma_wait3A_512 = tpu.memref_slice %arg6[%dma_wait3A_510, %dma_wait3A_511] : memref<3328x16xf32, #tpu.memory_space<vmem>> -> memref<128x16xf32, #tpu.memory_space<vmem>>
    %dma_wait3A_513 = arith.constant 0 : i32
    %dma_wait3A_514 = tpu.memref_slice %arg5[%dma_wait3A_509, %dma_wait3A_513] : memref<26x128xi32, #tpu.memory_space<vmem>> -> memref<1x128xi32, #tpu.memory_space<vmem>>
    %dma_wait3A_515 = tpu.memref_squeeze %dma_wait3A_514 : memref<1x128xi32, #tpu.memory_space<vmem>> -> memref<128xi32, #tpu.memory_space<vmem>>
    %dma_wait3A_516 = arith.constant 0 : i32
    %dma_wait3A_517 = arith.constant 0 : i32
    %dma_wait3A_518 = tpu.memref_slice %arg3[%dma_wait3A_516, %dma_wait3A_517] : memref<2600000x16xf32, #tpu.memory_space<hbm>> -> memref<2600000x16xf32, #tpu.memory_space<hbm>>
    tpu.wait_indirect_dma semaphore(%arg7 : memref<!tpu.dma_semaphore, #tpu.memory_space<semaphore_mem>>) src(%dma_wait3A_518 : memref<2600000x16xf32, #tpu.memory_space<hbm>>) dst(%dma_wait3A_512 : memref<128x16xf32, #tpu.memory_space<vmem>>)
    "tpu.region"() ({
      %run_scoped3A = tpu.sem_alloc : memref<!tpu.dma_semaphore, #tpu.memory_space<semaphore_mem>>
      %dma_start3A_519 = arith.constant 0 : i32
      %dma_start3A_520 = arith.constant 0 : i32
      %dma_start3A_521 = tpu.memref_slice %arg4[%add3A, %dma_start3A_519, %dma_start3A_520] : memref<32x3328x16xf32, #tpu.memory_space<hbm>> -> memref<1x3328x16xf32, #tpu.memory_space<hbm>>
      %dma_start3A_522 = tpu.memref_squeeze %dma_start3A_521 : memref<1x3328x16xf32, #tpu.memory_space<hbm>> -> memref<3328x16xf32, #tpu.memory_space<hbm>>
      %dma_start3A_523 = arith.constant 0 : i32
      %dma_start3A_524 = arith.constant 0 : i32
      %dma_start3A_525 = tpu.memref_slice %arg4[%add3A, %dma_start3A_523, %dma_start3A_524] : memref<32x3328x16xf32, #tpu.memory_space<hbm>> -> memref<1x3328x16xf32, #tpu.memory_space<hbm>>
      %dma_start3A_526 = tpu.memref_squeeze %dma_start3A_525 : memref<1x3328x16xf32, #tpu.memory_space<hbm>> -> memref<3328x16xf32, #tpu.memory_space<hbm>>
      tpu.enqueue_dma source(%arg6 : memref<3328x16xf32, #tpu.memory_space<vmem>>) target(%dma_start3A_526 : memref<3328x16xf32, #tpu.memory_space<hbm>>) target_semaphore(%run_scoped3A : memref<!tpu.dma_semaphore, #tpu.memory_space<semaphore_mem>>)
      %dma_wait3A_527 = arith.constant 0 : i32
      %dma_wait3A_528 = arith.constant 0 : i32
      %dma_wait3A_529 = tpu.memref_slice %arg4[%add3A, %dma_wait3A_527, %dma_wait3A_528] : memref<32x3328x16xf32, #tpu.memory_space<hbm>> -> memref<1x3328x16xf32, #tpu.memory_space<hbm>>
      %dma_wait3A_530 = tpu.memref_squeeze %dma_wait3A_529 : memref<1x3328x16xf32, #tpu.memory_space<hbm>> -> memref<3328x16xf32, #tpu.memory_space<hbm>>
      %dma_wait3A_531 = arith.constant 0 : i32
      %dma_wait3A_532 = arith.constant 0 : i32
      %dma_wait3A_533 = tpu.memref_slice %arg4[%add3A, %dma_wait3A_531, %dma_wait3A_532] : memref<32x3328x16xf32, #tpu.memory_space<hbm>> -> memref<1x3328x16xf32, #tpu.memory_space<hbm>>
      %dma_wait3A_534 = tpu.memref_squeeze %dma_wait3A_533 : memref<1x3328x16xf32, #tpu.memory_space<hbm>> -> memref<3328x16xf32, #tpu.memory_space<hbm>>
      tpu.wait_dma2 semaphore(%run_scoped3A : memref<!tpu.dma_semaphore, #tpu.memory_space<semaphore_mem>>) src(%arg6 : memref<3328x16xf32, #tpu.memory_space<vmem>>) dst(%dma_wait3A_534 : memref<3328x16xf32, #tpu.memory_space<hbm>>)
      tpu.yield
    }) : () -> ()
    return
  }
}

module attributes {stable_mosaic.version = 14 : i64} {
  func.func @_tc_body(%arg0: i32, %arg1: memref<512x416xf32, #tpu.memory_space<vmem>>, %arg2: memref<512x26xf32, #tpu.memory_space<vmem>>, %arg3: memref<26x416xf32, #tpu.memory_space<vmem>>, %arg4: memref<416x32xf32, #tpu.memory_space<vmem>>, %arg5: memref<416x32xf32, #tpu.memory_space<vmem>>, %arg6: memref<32x32xf32, #tpu.memory_space<vmem>>, %arg7: memref<1x32xf32, #tpu.memory_space<vmem>>, %arg8: memref<32x32xf32, #tpu.memory_space<vmem>>, %arg9: memref<1x32xf32, #tpu.memory_space<vmem>>, %arg10: memref<32x1xf32, #tpu.memory_space<vmem>>, %arg11: memref<1x1xf32, #tpu.memory_space<vmem>>, %arg12: memref<512x1xf32, #tpu.memory_space<vmem>>) attributes {dimension_semantics = [#tpu.dimension_semantics<arbitrary>], iteration_bounds = array<i64: 8>, scalar_prefetch = 0 : i64, scratch_operands = 0 : i64, tpu.core_type = #tpu.core_type<tc>, window_params = [{transform_indices = @transform_0, window_bounds = array<i64: 512, 416>}, {transform_indices = @transform_1, window_bounds = array<i64: 512, 26>}, {pipeline_mode = #tpu.pipeline_mode<synchronous>, transform_indices = @transform_2, window_bounds = array<i64: 26, 416>}, {pipeline_mode = #tpu.pipeline_mode<synchronous>, transform_indices = @transform_3, window_bounds = array<i64: 416, 32>}, {pipeline_mode = #tpu.pipeline_mode<synchronous>, transform_indices = @transform_4, window_bounds = array<i64: 416, 32>}, {pipeline_mode = #tpu.pipeline_mode<synchronous>, transform_indices = @transform_5, window_bounds = array<i64: 32, 32>}, {pipeline_mode = #tpu.pipeline_mode<synchronous>, transform_indices = @transform_6, window_bounds = array<i64: 1, 32>}, {pipeline_mode = #tpu.pipeline_mode<synchronous>, transform_indices = @transform_7, window_bounds = array<i64: 32, 32>}, {pipeline_mode = #tpu.pipeline_mode<synchronous>, transform_indices = @transform_8, window_bounds = array<i64: 1, 32>}, {pipeline_mode = #tpu.pipeline_mode<synchronous>, transform_indices = @transform_9, window_bounds = array<i64: 32, 1>}, {pipeline_mode = #tpu.pipeline_mode<synchronous>, transform_indices = @transform_10, window_bounds = array<i64: 1, 1>}, {transform_indices = @transform_11, window_bounds = array<i64: 512, 1>}]} {
    %get3A = arith.constant 0 : index
    %get3A_0 = arith.constant 0 : index
    %get3A_1 = vector.load %arg2[%get3A, %get3A_0] : memref<512x26xf32, #tpu.memory_space<vmem>>, vector<512x26xf32>
    %get3A_2 = arith.constant 0 : index
    %get3A_3 = arith.constant 0 : index
    %get3A_4 = vector.load %arg3[%get3A_2, %get3A_3] : memref<26x416xf32, #tpu.memory_space<vmem>>, vector<26x416xf32>
    %dot_general3A = arith.constant dense<0.000000e+00> : vector<512x416xf32>
    %dot_general3A_5 = tpu.matmul %get3A_1, %get3A_4, %dot_general3A {dimension_numbers = #tpu.dot_dimension_numbers<[1], [0], [0], [1], [0, 0, 1, 1], [], []>, transpose_lhs_hint = false} : vector<512x26xf32>, vector<26x416xf32>, vector<512x416xf32> -> vector<512x416xf32>
    %get3A_6 = arith.constant 0 : index
    %get3A_7 = arith.constant 0 : index
    %get3A_8 = vector.load %arg1[%get3A_6, %get3A_7] : memref<512x416xf32, #tpu.memory_space<vmem>>, vector<512x416xf32>
    %mul3A = arith.mulf %get3A_8, %dot_general3A_5 : vector<512x416xf32>
    %get3A_9 = arith.constant 0 : index
    %get3A_10 = arith.constant 0 : index
    %get3A_11 = vector.load %arg4[%get3A_9, %get3A_10] : memref<416x32xf32, #tpu.memory_space<vmem>>, vector<416x32xf32>
    %dot_general3A_12 = arith.constant dense<0.000000e+00> : vector<512x32xf32>
    %dot_general3A_13 = tpu.matmul %mul3A, %get3A_11, %dot_general3A_12 {dimension_numbers = #tpu.dot_dimension_numbers<[1], [0], [0], [1], [0, 0, 1, 1], [], []>, transpose_lhs_hint = false} : vector<512x416xf32>, vector<416x32xf32>, vector<512x32xf32> -> vector<512x32xf32>
    %get3A_14 = arith.constant 0 : index
    %get3A_15 = arith.constant 0 : index
    %get3A_16 = vector.load %arg5[%get3A_14, %get3A_15] : memref<416x32xf32, #tpu.memory_space<vmem>>, vector<416x32xf32>
    %dot_general3A_17 = arith.constant dense<0.000000e+00> : vector<512x32xf32>
    %dot_general3A_18 = tpu.matmul %mul3A, %get3A_16, %dot_general3A_17 {dimension_numbers = #tpu.dot_dimension_numbers<[1], [0], [0], [1], [0, 0, 1, 1], [], []>, transpose_lhs_hint = false} : vector<512x416xf32>, vector<416x32xf32>, vector<512x32xf32> -> vector<512x32xf32>
    %mul3A_19 = arith.mulf %dot_general3A_18, %dot_general3A_18 : vector<512x32xf32>
    %add3A = arith.addf %dot_general3A_13, %mul3A_19 : vector<512x32xf32>
    %get3A_20 = arith.constant 0 : index
    %get3A_21 = arith.constant 0 : index
    %get3A_22 = vector.load %arg6[%get3A_20, %get3A_21] : memref<32x32xf32, #tpu.memory_space<vmem>>, vector<32x32xf32>
    %dot_general3A_23 = arith.constant dense<0.000000e+00> : vector<512x32xf32>
    %dot_general3A_24 = tpu.matmul %add3A, %get3A_22, %dot_general3A_23 {dimension_numbers = #tpu.dot_dimension_numbers<[1], [0], [0], [1], [0, 0, 1, 1], [], []>, transpose_lhs_hint = false} : vector<512x32xf32>, vector<32x32xf32>, vector<512x32xf32> -> vector<512x32xf32>
    %get3A_25 = arith.constant 0 : index
    %get3A_26 = arith.constant 0 : index
    %get3A_27 = vector.load %arg7[%get3A_25, %get3A_26] : memref<1x32xf32, #tpu.memory_space<vmem>>, vector<1x32xf32>
    %add3A_28 = vector.broadcast %get3A_27 : vector<1x32xf32> to vector<512x32xf32>
    %add3A_29 = arith.addf %dot_general3A_24, %add3A_28 : vector<512x32xf32>
    %max3A = arith.constant 0.000000e+00 : f32
    %max3A_30 = vector.broadcast %max3A : f32 to vector<512x32xf32>
    %max3A_31 = arith.maximumf %add3A_29, %max3A_30 : vector<512x32xf32>
    %get3A_32 = arith.constant 0 : index
    %get3A_33 = arith.constant 0 : index
    %get3A_34 = vector.load %arg8[%get3A_32, %get3A_33] : memref<32x32xf32, #tpu.memory_space<vmem>>, vector<32x32xf32>
    %dot_general3A_35 = arith.constant dense<0.000000e+00> : vector<512x32xf32>
    %dot_general3A_36 = tpu.matmul %max3A_31, %get3A_34, %dot_general3A_35 {dimension_numbers = #tpu.dot_dimension_numbers<[1], [0], [0], [1], [0, 0, 1, 1], [], []>, transpose_lhs_hint = false} : vector<512x32xf32>, vector<32x32xf32>, vector<512x32xf32> -> vector<512x32xf32>
    %get3A_37 = arith.constant 0 : index
    %get3A_38 = arith.constant 0 : index
    %get3A_39 = vector.load %arg9[%get3A_37, %get3A_38] : memref<1x32xf32, #tpu.memory_space<vmem>>, vector<1x32xf32>
    %add3A_40 = vector.broadcast %get3A_39 : vector<1x32xf32> to vector<512x32xf32>
    %add3A_41 = arith.addf %dot_general3A_36, %add3A_40 : vector<512x32xf32>
    %max3A_42 = arith.constant 0.000000e+00 : f32
    %max3A_43 = vector.broadcast %max3A_42 : f32 to vector<512x32xf32>
    %max3A_44 = arith.maximumf %add3A_41, %max3A_43 : vector<512x32xf32>
    %get3A_45 = arith.constant 0 : index
    %get3A_46 = arith.constant 0 : index
    %get3A_47 = vector.load %arg10[%get3A_45, %get3A_46] : memref<32x1xf32, #tpu.memory_space<vmem>>, vector<32x1xf32>
    %dot_general3A_48 = arith.constant dense<0.000000e+00> : vector<512x1xf32>
    %dot_general3A_49 = tpu.matmul %max3A_44, %get3A_47, %dot_general3A_48 {dimension_numbers = #tpu.dot_dimension_numbers<[1], [0], [0], [1], [0, 0, 1, 1], [], []>, transpose_lhs_hint = false} : vector<512x32xf32>, vector<32x1xf32>, vector<512x1xf32> -> vector<512x1xf32>
    %get3A_50 = arith.constant 0 : index
    %get3A_51 = arith.constant 0 : index
    %get3A_52 = vector.load %arg11[%get3A_50, %get3A_51] : memref<1x1xf32, #tpu.memory_space<vmem>>, vector<1x1xf32>
    %add3A_53 = vector.broadcast %get3A_52 : vector<1x1xf32> to vector<512x1xf32>
    %add3A_54 = arith.addf %dot_general3A_49, %add3A_53 : vector<512x1xf32>
    %swap3A = arith.constant 0 : index
    %swap3A_55 = arith.constant 0 : index
    %swap3A_56 = vector.load %arg12[%swap3A, %swap3A_55] : memref<512x1xf32, #tpu.memory_space<vmem>>, vector<512x1xf32>
    tpu.vector_store %arg12[%swap3A, %swap3A_55], %add3A_54 {strides = array<i32>} : memref<512x1xf32, #tpu.memory_space<vmem>>, vector<512x1xf32>,
    return
  }
  func.func @transform_0(%arg0: i32) -> (i32, i32) {
    %c0_i32 = arith.constant 0 : i32
    %c0_i32_0 = arith.constant 0 : i32
    return %arg0, %c0_i32 : i32, i32
  }
  func.func @transform_1(%arg0: i32) -> (i32, i32) {
    %c0_i32 = arith.constant 0 : i32
    %c0_i32_0 = arith.constant 0 : i32
    return %arg0, %c0_i32 : i32, i32
  }
  func.func @transform_2(%arg0: i32) -> (i32, i32) {
    %c0_i32 = arith.constant 0 : i32
    %c0_i32_0 = arith.constant 0 : i32
    %c0_i32_1 = arith.constant 0 : i32
    return %c0_i32, %c0_i32_0 : i32, i32
  }
  func.func @transform_3(%arg0: i32) -> (i32, i32) {
    %c0_i32 = arith.constant 0 : i32
    %c0_i32_0 = arith.constant 0 : i32
    %c0_i32_1 = arith.constant 0 : i32
    return %c0_i32, %c0_i32_0 : i32, i32
  }
  func.func @transform_4(%arg0: i32) -> (i32, i32) {
    %c0_i32 = arith.constant 0 : i32
    %c0_i32_0 = arith.constant 0 : i32
    %c0_i32_1 = arith.constant 0 : i32
    return %c0_i32, %c0_i32_0 : i32, i32
  }
  func.func @transform_5(%arg0: i32) -> (i32, i32) {
    %c0_i32 = arith.constant 0 : i32
    %c0_i32_0 = arith.constant 0 : i32
    %c0_i32_1 = arith.constant 0 : i32
    return %c0_i32, %c0_i32_0 : i32, i32
  }
  func.func @transform_6(%arg0: i32) -> (i32, i32) {
    %c0_i32 = arith.constant 0 : i32
    %c0_i32_0 = arith.constant 0 : i32
    %c0_i32_1 = arith.constant 0 : i32
    return %c0_i32, %c0_i32_0 : i32, i32
  }
  func.func @transform_7(%arg0: i32) -> (i32, i32) {
    %c0_i32 = arith.constant 0 : i32
    %c0_i32_0 = arith.constant 0 : i32
    %c0_i32_1 = arith.constant 0 : i32
    return %c0_i32, %c0_i32_0 : i32, i32
  }
  func.func @transform_8(%arg0: i32) -> (i32, i32) {
    %c0_i32 = arith.constant 0 : i32
    %c0_i32_0 = arith.constant 0 : i32
    %c0_i32_1 = arith.constant 0 : i32
    return %c0_i32, %c0_i32_0 : i32, i32
  }
  func.func @transform_9(%arg0: i32) -> (i32, i32) {
    %c0_i32 = arith.constant 0 : i32
    %c0_i32_0 = arith.constant 0 : i32
    %c0_i32_1 = arith.constant 0 : i32
    return %c0_i32, %c0_i32_0 : i32, i32
  }
  func.func @transform_10(%arg0: i32) -> (i32, i32) {
    %c0_i32 = arith.constant 0 : i32
    %c0_i32_0 = arith.constant 0 : i32
    %c0_i32_1 = arith.constant 0 : i32
    return %c0_i32, %c0_i32_0 : i32, i32
  }
  func.func @transform_11(%arg0: i32) -> (i32, i32) {
    %c0_i32 = arith.constant 0 : i32
    %c0_i32_0 = arith.constant 0 : i32
    return %arg0, %c0_i32 : i32, i32
  }
}

</mosaic_0001>

<sc_bundles>
// kernel: kernel.4.cloned.1.call-start
scs
__scs_entry_jumppad:
0x0: {  	(pc) =	sbr.rel $0x88, $3  }
0x1: {  	(tag) =	ssettag $0x0;
	lr =	simm.s32 $0x1  }
0x2: {  	[smem:$0x3F96] =	sst lr;
	_ =	strace $0xD0000000  }
0x3: {  	_ = 	snop  }
0x4: {  	_ = 	snop  }
0x5: {  	_ = 	snop  }
0x6: {  	_ = 	snop  }
0x7: {  	_ = 	snop  }
__scs_overlays_trampoline_lowered:
0x8: {  	[smem:$0x3FA5] =	sst s0  }
0x9: {  	[smem:$0x3FA6] =	sst s1  }
0xa: {  	[smem:$0x3FA7] =	sst s2  }
0xb: {  	[smem:$0x3FA8] =	sst s3  }
0xc: {  	[smem:$0x3FA9] =	sst s4  }
0xd: {  	[smem:$0x3FAA] =	sst s5  }
0xe: {  	[smem:$0x3FAB] =	sst s6  }
0xf: {  	[smem:$0x3FAC] =	sst s7  }
0x10: {  	[smem:$0x3FAD] =	sst s8  }
0x11: {  	[smem:$0x3FAE] =	sst s9;
	s0 =	simm.s32 @!p0 $0x0  }
0x12: {  	s1 =	sld [smem:$0x3F94];
	s0 =	simm.s32 @p0 $0x1  }
0x13: {  	[smem:$0x3FAF] =	sst s0;
	s0 =	simm.s32 @!p1 $0x0  }
0x14: {  	s2 =	sld [smem:$0x3F93];
	s0 =	simm.s32 @p1 $0x1  }
0x15: {  	[smem:$0x3FB0] =	sst s0;
	s0 =	simm.s32 @!p2 $0x0  }
0x16: {  	s3 =	sld [smem:$0x3FDB];
	s0 =	simm.s32 @p2 $0x1  }
0x17: {  	s4 =	simm.s32 $0x1BF5;
	[smem:$0x3FB2] =	sst s0  }
0x18: {  	s0 =	sld [smem:$0x3F95];
	_ =	swait.ge [sflag:s4], $0x0  }
0x19: {  	s7 =	sld [smem:$0x3F96]  }
0x1a: {  	s8 =	sadd.s32 $0xFFFFE003, lr  }
0x1b: {  	s9 =	sadd.s32 $0xFFFFFEF7, lr;
	s5 =	simm.s32 $0xFFFFFFFF;
	p2 =	slt.u32 s8, $0xFFFFF086  }
0x1c: {  	p1 =	slt.u32 s9, $0xF7A;
	s5 =	simm.s32 @!p2 $0x0  }
0x1d: {  	s5 =	simm.s32 @p1 $0x1;
	p0 =	seq.s32 s7, s2  }
0x1e: {  	s7 =	smul.u32 @!p0 $0xF7A, s2;
	p2 =	seq.s32 @!p0 s5, $0x0  }
0x1f: {  	s9 =	smul.u32 $0xF7A, s1;
	s8 =	simm.s32 @!p0 $0x1BF5;
	p2 =	por !p2, p0  }
0x20: {  	[sflag:s8] =	ssyncset.s32 @!p0 $0xFFFFF086;
	s6 =	sadd.s32 @!p0 s3, s7;
	s7 =	simm.s32 @!p0 $0x108  }
0x21: {  	s3 =	sadd.s32 s3, s9;
	s6 =	sadd.s32 @!p0 $0x88, s6;
	s7 =	simm.s32 @p2 $0x1082  }
0x22: {  	[simem:s7], [sflag:s8] =	dma.local @!p0 [hbm:s6], $0xF7A  }
0x23: {  	s9 =	sor.u32 $0xD0000000, s2;
	s6 =	simm.s32 $0x108;
	_ =	swait.ge @!p0 [sflag:s8], $0x0  }
0x24: {  	s3 =	sadd.s32 $0x88, s3;
	s6 =	simm.s32 @!p1 $0x1082;
	[sflag:s4] =	ssyncset.s32 $0xFFFFF086  }
0x25: {  	[simem:s6], [sflag:s4] =	dma.local [hbm:s3], $0xF7A  }
0x26: {  	[smem:$0x3F96] =	sst s1;
	(tag) =	ssettag s2;
	_ =	strace s9  }
0x27: {  	s1 =	sld [smem:$0x3FA6]  }
0x28: {  	s2 =	sld [smem:$0x3FA7]  }
0x29: {  	s4 =	sld [smem:$0x3FA9]  }
0x2a: {  	p0 =	seq.s32 s5, $0x0;
	s5 =	sld [smem:$0x3FAA]  }
0x2b: {  	s6 =	sld [smem:$0x3FAB]  }
0x2c: {  	s7 =	sld [smem:$0x3FAC]  }
0x2d: {  	s3 =	simm.s32 $0x108;
	s8 =	sld [smem:$0x3FAD]  }
0x2e: {  	s3 =	simm.s32 @!p0 $0x1082;
	s9 =	sld [smem:$0x3FAE]  }
0x2f: {  	lr =	sadd.s32 s0, s3;
	s0 =	sld [smem:$0x3FA5]  }
0x30: {  	s3 =	sld [smem:$0x3FA8]  }
0x31: {  	[smem:$0x3FB1] =	sst s10  }
0x32: {  	s10 =	sld [smem:$0x3FAF];
	_ =	sdelay $0x3  }
0x33: {  	p0 =	seq.s32 s10, $0x1;
	s10 =	sld [smem:$0x3FB1];
	_ =	sdelay $0x3  }
0x34: {  	[smem:$0x3FB1] =	sst s10  }
0x35: {  	s10 =	sld [smem:$0x3FB0];
	_ =	sdelay $0x3  }
0x36: {  	p1 =	seq.s32 s10, $0x1;
	s10 =	sld [smem:$0x3FB1];
	_ =	sdelay $0x3  }
0x37: {  	[smem:$0x3FB1] =	sst s10  }
0x38: {  	s10 =	sld [smem:$0x3FB2]  }
0x39: {  	_ = 	snop;
	(pc) =	sbr.ind lr, $3  }
0x3a: {  	_ = 	snop  }
0x3b: {  	_ = 	snop  }
0x3c: {  	p2 =	seq.s32 s10, $0x1;
	s10 =	sld [smem:$0x3FB1]  }
0x3d: {  	_ =	shalt  }
0x3e: {  	_ =	shalt  }
0x3f: {  	_ =	shalt  }
0x40: {  	_ =	shalt  }
0x41: {  	_ =	shalt  }
0x42: {  	_ =	shalt  }
0x43: {  	_ =	shalt  }
0x44: {  	_ =	shalt  }
0x45: {  	_ =	shalt  }
0x46: {  	_ =	shalt  }
0x47: {  	_ =	shalt  }
0x48: {  	_ =	shalt  }
0x49: {  	_ =	shalt  }
0x4a: {  	_ =	shalt  }
0x4b: {  	_ =	shalt  }
0x4c: {  	_ =	shalt  }
0x4d: {  	_ =	shalt  }
0x4e: {  	_ =	shalt  }
0x4f: {  	_ =	shalt  }
0x50: {  	_ =	shalt  }
0x51: {  	_ =	shalt  }
0x52: {  	_ =	shalt  }
0x53: {  	_ =	shalt  }
0x54: {  	_ =	shalt  }
0x55: {  	_ =	shalt  }
0x56: {  	_ =	shalt  }
0x57: {  	_ =	shalt  }
0x58: {  	_ =	shalt  }
0x59: {  	_ =	shalt  }
0x5a: {  	_ =	shalt  }
0x5b: {  	_ =	shalt  }
0x5c: {  	_ =	shalt  }
0x5d: {  	_ =	shalt  }
0x5e: {  	_ =	shalt  }
0x5f: {  	_ =	shalt  }
0x60: {  	_ =	shalt  }
0x61: {  	_ =	shalt  }
0x62: {  	_ =	shalt  }
0x63: {  	_ =	shalt  }
0x64: {  	_ =	shalt  }
0x65: {  	_ =	shalt  }
0x66: {  	_ =	shalt  }
0x67: {  	_ =	shalt  }
0x68: {  	_ =	shalt  }
0x69: {  	_ =	shalt  }
0x6a: {  	_ =	shalt  }
0x6b: {  	_ =	shalt  }
0x6c: {  	_ =	shalt  }
0x6d: {  	_ =	shalt  }
0x6e: {  	_ =	shalt  }
0x6f: {  	_ =	shalt  }
0x70: {  	_ =	shalt  }
0x71: {  	_ =	shalt  }
0x72: {  	_ =	shalt  }
0x73: {  	_ =	shalt  }
0x74: {  	_ =	shalt  }
0x75: {  	_ =	shalt  }
0x76: {  	_ =	shalt  }
0x77: {  	_ =	shalt  }
0x78: {  	_ =	shalt  }
0x79: {  	_ =	shalt  }
0x7a: {  	_ =	shalt  }
0x7b: {  	_ =	shalt  }
0x7c: {  	_ =	shalt  }
0x7d: {  	_ =	shalt  }
0x7e: {  	_ =	shalt  }
0x7f: {  	_ =	shalt  }
0x80: {  	_ =	shalt  }
0x81: {  	_ =	shalt  }
0x82: {  	_ =	shalt  }
0x83: {  	_ =	shalt  }
0x84: {  	_ =	shalt  }
0x85: {  	_ =	shalt  }
0x86: {  	_ =	shalt  }
0x87: {  	_ =	shalt  }
.Lfunc_end0:
.L_simem_size_0:
called_computation_lowered:
.L_overlay_start_0:
0x88: {  	s2 =	sld [smem:$0x3FD9]  }
0x89: {  	s3 =	sld [smem:$0x3FFE];
	_ =	sdelay $0x1  }
0x8a: {  	s1 =	srdreg.scid  }
0x8b: {  	s0 =	sand.u32 $0x1, s1  }
0x8c: {  	s16 =	sshll.u32 s0, $0xA;
	s2 =	sadd.s32 s3, s2  }
0x8d: {  	s2 =	sadd.s32 s2, s16  }
0x8e: {  	[smem:$0x3FBD] =	sst s2  }
0x8f: {  	_ = 	snop  }
0x90: {  	(tm) =	ssettm $0x1  }
0x91: {  	s17 =	sld [smem:$0x3FFB];
	_ =	sdelay $0x3  }
0x92: {  	_ =	strace s17  }
0x93: {  	s2 =	sld [smem:$0x3FFC];
	_ =	sdelay $0x3  }
0x94: {  	_ =	strace s2  }
0x95: {  	s2 =	sld [smem:$0x3FFD];
	_ =	sdelay $0x3  }
0x96: {  	_ =	strace s2  }
0x97: {  	_ =	strace $0x8FFFFFFF  }
0x98: {  	s18 =	sld [smem:$0x3FDB];
	_ =	sdelay $0x1  }
0x99: {  	s19 =	simm.s32 $_scs_section_size  }
0x9a: {  	s4 =	simm.s32 $_size__tile_overlayer_lowered;
	s5 =	simm.s32 $_tile_overlayer_lowered  }
0x9b: {  	s22 =	simm.s32 $0x1BFF;
	s21 =	sshll.u32 s5, $0x1;
	s2 =	sadd.s32 s19, s18  }
0x9c: {  	s6 =	simm.s32 $0x0;
	s20 =	sshll.u32 s4, $0x1;
	s4 =	sadd.s32 s21, s2  }
0x9d: {  	[timem:s6], [sflag:s22] =	dma.local [hbm:s4], s20  }
0x9e: {  	_ =	swait.ge [sflag:s22], s20  }
0x9f: {  	s3 =	ssub.s32 $0x0, s20;
	[sflag:s22] =	ssyncset.done $0x0  }
0xa0: {  	[sflag:s22] =	ssyncadd.s32 s3;
	_ =	sdelay $0x1  }
0xa1: {  	s23 =	simm.s32 $0x1B8B  }
0xa2: {  	_ =	swait.ge [sflag:s23], $0x1  }
0xa3: {  	[sflag:s23] =	ssyncset.done $0x0  }
0xa4: {  	s25 =	simm.s32 $0x1B8E;
	s24 =	sld [smem:$0x3FFE];
	[sflag:s23] =	ssyncadd.s32 $0xFFFFFFFF  }
0xa5: {  	s26 =	simm.s32 $execute0_lowered;
	[smem:$0x3FD2] =	sst s25  }
0xa6: {  	s4 =	sshll.u32 s26, $0x1;
	_ =	strace $0x80000046;
	[dreg:$0x1] =	wrdreg $0xFFFFFFFF  }
0xa7: {  	s28 =	simm.s32 $_size_execute0_lowered;
	s2 =	sadd.s32 s2, s4;
	[dreg:$0x0] =	wrdreg $0x0  }
0xa8: {  	s4 =	sshll.u32 s28, $0x1;
	[dreg:$0x2] =	wrdreg s2  }
0xa9: {  	[dreg:$0x3] =	wrdreg s4  }
0xaa: {  	[dreg:$0x4] =	wrdreg $0xC0  }
0xab: {  	_ =	task [dreg:s6], $0x5FFFF  }
0xac: {  	[dreg:$0x1] =	wrdreg $0xFFFFFFFF  }
0xad: {  	[dreg:$0x0] =	wrdreg $0x60  }
0xae: {  	[dreg:$0x2] =	wrdreg s24  }
0xaf: {  	[dreg:$0x3] =	wrdreg $0x9  }
0xb0: {  	_ =	task.clear_ibuf [dreg:s6], $0x4FFFF;
	_ =	strace $0x90000046  }
0xb1: {  	s29 =	simm.s32 $0x9;
	_ =	strace $0x80000048  }
0xb2: {  	_ =	swait.ge [sflag:s29], $0x1  }
0xb3: {  	[sflag:s29] =	ssyncadd.s32 $0xFFFFFFFF  }
0xb4: {  	_ =	strace $0x90000048  }
0xb5: {  	_ =	sfence  }
0xb6: {  	s30 =	sld [smem:$0x0];
	_ =	sdelay $0x2  }
0xb7: {  	s31 =	sshll.u32 s1, $0xD;
	s1 =	sshrl.u32 s1, $0x2  }
0xb8: {  	s3 =	sand.u32 $0x4000, s31;
	s1 =	sadd.s32 s1, s30  }
0xb9: {  	s0 =	sor.u32 s3, s0;
	s1 =	sshll.u32 s1, $0x11  }
0xba: {  	s0 =	sor.u32 s1, s0  }
0xbb: {  	s0 =	sadd.s32 $0x8F2B, s0  }
0xbc: {  	[sflag:s0] =	ssyncadd.remote.s32 $0x1  }
0xbd: {  	_ =	sfence.sel $0xFFFF  }
0xbe: {  	[dreg:$0x0] =	wrdreg $0xFFFFFFFF;
	(pc) =	sbr.abs _section_cstart, $3  }
0xbf: {  	[dreg:$0x1] =	wrdreg $0xFFFFFFFF  }
0xc0: {  	_ =	task.clear_ibuf [dreg:s6], $0x2FFFF;
	_ =	strace $0x9FFFFFFF  }
0xc1: {  	(tm) =	ssettm $0x7FFFFFFF  }
tec
execute0_lowered:
.L_overlay_start_1:
0x0: {  	(tag) =	ssettag $0x1  }
0x1: {  	s0 =	srdreg.scid  }
0x2: {  	s2 =	stileid.u32;
	s1 =	sand.u32 $0x1, s0  }
0x3: {  	s20 =	sshll.u32 s2, $0x1;
	s0 =	rddreg [dreg:$0x0];
	s2 =	simm.s32 $0x0  }
0x4: {  	s21 =	simm.s32 $0x1500;
	[smem:$0x7FF] =	sst s2  }
0x5: {  	s22 =	simm.s32 $0x100;
	_ =	strace $0x80000047;
	[dreg:$0x4] =	wrdreg s21  }
0x6: {  	s23 =	simm.s32 $0x1D00;
	[dreg:$0x5] =	wrdreg s22  }
0x7: {  	s24 =	simm.s32 $0x180;
	[dreg:$0x6] =	wrdreg s23  }
0x8: {  	s25 =	simm.s32 $0x2500;
	[dreg:$0x7] =	wrdreg s24  }
0x9: {  	s26 =	simm.s32 $0x200;
	[dreg:$0x8] =	wrdreg s25  }
0xa: {  	s5 =	simm.s32 $0x280;
	[dreg:$0x9] =	wrdreg s26  }
0xb: {  	s6 =	simm.s32 $0x3500;
	[dreg:$0xb] =	wrdreg s5  }
0xc: {  	s7 =	simm.s32 $0x300;
	[dreg:$0xc] =	wrdreg s6  }
0xd: {  	s8 =	simm.s32 $0x3D00;
	[dreg:$0xd] =	wrdreg s7  }
0xe: {  	s9 =	simm.s32 $0x380;
	[dreg:$0xe] =	wrdreg s8  }
0xf: {  	s10 =	simm.s32 $0x4500;
	[dreg:$0xf] =	wrdreg s9  }
0x10: {  	s11 =	simm.s32 $0x400;
	[dreg:$0x10] =	wrdreg s10  }
0x11: {  	s12 =	simm.s32 $0x4D00;
	[dreg:$0x11] =	wrdreg s11  }
0x12: {  	s13 =	simm.s32 $0x480;
	[dreg:$0x12] =	wrdreg s12  }
0x13: {  	s14 =	simm.s32 $0x5500;
	[dreg:$0x13] =	wrdreg s13  }
0x14: {  	s15 =	simm.s32 $0x500;
	[dreg:$0x14] =	wrdreg s14  }
0x15: {  	s16 =	simm.s32 $0x5D00;
	[dreg:$0x15] =	wrdreg s15  }
0x16: {  	s17 =	simm.s32 $0x580;
	[dreg:$0x16] =	wrdreg s16  }
0x17: {  	s18 =	simm.s32 $0x6500;
	[dreg:$0x17] =	wrdreg s17  }
0x18: {  	s19 =	simm.s32 $0x600;
	[dreg:$0x18] =	wrdreg s18  }
0x19: {  	s3 =	sor.u32 s1, s20;
	s20 =	simm.s32 $0x6D00;
	[dreg:$0x19] =	wrdreg s19  }
0x1a: {  	s4 =	smul.u32 $0x1A0, s3;
	[dreg:$0x1a] =	wrdreg s20;
	s21 =	simm.s32 $0x680  }
0x1b: {  	s3 =	smul.u32 $0x1A00, s3;
	s22 =	simm.s32 $0x7500;
	[dreg:$0x1b] =	wrdreg s21  }
0x1c: {  	s5 =	simm.s32 $0x700;
	[dreg:$0x1c] =	wrdreg s22;
	s4 =	sadd.s32 s4, s0  }
0x1d: {  	[dreg:$0x1d] =	wrdreg s5;
	s3 =	sadd.s32 s3, s0;
	s4 =	sadd.s32 $0x1400, s4  }
0x1e: {  	s3 =	sadd.s32 $0x4800, s3;
	[dreg:$0x2] =	wrdreg s4  }
0x1f: {  	[dreg:$0x3] =	wrdreg s3;
	s4 =	simm.s32 $0x2D00  }
0x20: {  	[dreg:$0xa] =	wrdreg s4  }
0x21: {  	s3 =	simm.s32 $0x2;
	s4 =	rddreg [dreg:$0x2]  }
0x22: {  	[tilespmem:s2], [sflag:$0x2] =	stream.linear.gather [hbm4b:s4+s2], $0xD00, $0x38;
	[tilespmem:$0xDD00] =	vst v63  }
0x23: {  	_ =	swait.ge [sflag:s3], $0xD00  }
0x24: {  	s7 =	rddreg [dreg:$0x1c]  }
0x25: {  	s8 =	rddreg [dreg:$0x1a]  }
0x26: {  	s9 =	rddreg [dreg:$0x18]  }
0x27: {  	s10 =	rddreg [dreg:$0x16]  }
0x28: {  	s11 =	rddreg [dreg:$0x14]  }
0x29: {  	s12 =	rddreg [dreg:$0x12]  }
0x2a: {  	s13 =	rddreg [dreg:$0x10]  }
0x2b: {  	s14 =	rddreg [dreg:$0xe]  }
0x2c: {  	s15 =	rddreg [dreg:$0xc]  }
0x2d: {  	s6 =	simm.s32 $0x80;
	s16 =	rddreg [dreg:$0xa]  }
0x2e: {  	s5 =	sadd.s32 $0x27AD800, s0;
	s23 =	rddreg [dreg:$0x5];
	[sflag:s3] =	ssyncset.done $0x0  }
0x2f: {  	s4 =	simm.s32 $0xD00;
	s17 =	rddreg [dreg:$0x4];
	[sflag:s3] =	ssyncadd.s32 $0xFFFFF300  }
0x30: {  	[tilespmem:s4], [sflag:$0x1] =	stream.indirect.gather [hbm4b:s5+s6], $0x10, s2, s6, $0xb8;
	[tilespmem:$0xDD00] =	vst v63  }
0x31: {  	s18 =	rddreg [dreg:$0x6]  }
0x32: {  	[tilespmem:s17], [sflag:$0x1] =	stream.indirect.gather [hbm4b:s5+s6], $0x10, s6, s6, $0xb8;
	[tilespmem:$0xDD00] =	vst v63  }
0x33: {  	s19 =	rddreg [dreg:$0x8]  }
0x34: {  	[tilespmem:s18], [sflag:$0x1] =	stream.indirect.gather [hbm4b:s5+s6], $0x10, s23, s6, $0xb8;
	[tilespmem:$0xDD00] =	vst v63  }
0x35: {  	s24 =	rddreg [dreg:$0x7]  }
0x36: {  	[tilespmem:s19], [sflag:$0x1] =	stream.indirect.gather [hbm4b:s5+s6], $0x10, s24, s6, $0xb8;
	[tilespmem:$0xDD00] =	vst v63  }
0x37: {  	s25 =	rddreg [dreg:$0x9]  }
0x38: {  	[tilespmem:s16], [sflag:$0x1] =	stream.indirect.gather [hbm4b:s5+s6], $0x10, s25, s6, $0xb8;
	[tilespmem:$0xDD00] =	vst v63  }
0x39: {  	s26 =	rddreg [dreg:$0xb]  }
0x3a: {  	[tilespmem:s15], [sflag:$0x1] =	stream.indirect.gather [hbm4b:s5+s6], $0x10, s26, s6, $0xb8;
	[tilespmem:$0xDD00] =	vst v63  }
0x3b: {  	s16 =	rddreg [dreg:$0xd]  }
0x3c: {  	[tilespmem:s14], [sflag:$0x1] =	stream.indirect.gather [hbm4b:s5+s6], $0x10, s16, s6, $0xb8;
	[tilespmem:$0xDD00] =	vst v63  }
0x3d: {  	s18 =	rddreg [dreg:$0xf]  }
0x3e: {  	[tilespmem:s13], [sflag:$0x1] =	stream.indirect.gather [hbm4b:s5+s6], $0x10, s18, s6, $0xb8;
	[tilespmem:$0xDD00] =	vst v63  }
0x3f: {  	s19 =	rddreg [dreg:$0x11]  }
0x40: {  	[tilespmem:s12], [sflag:$0x1] =	stream.indirect.gather [hbm4b:s5+s6], $0x10, s19, s6, $0xb8;
	[tilespmem:$0xDD00] =	vst v63  }
0x41: {  	s20 =	rddreg [dreg:$0x13]  }
0x42: {  	[tilespmem:s11], [sflag:$0x1] =	stream.indirect.gather [hbm4b:s5+s6], $0x10, s20, s6, $0xb8;
	[tilespmem:$0xDD00] =	vst v63  }
0x43: {  	s21 =	rddreg [dreg:$0x15]  }
0x44: {  	[tilespmem:s10], [sflag:$0x1] =	stream.indirect.gather [hbm4b:s5+s6], $0x10, s21, s6, $0xb8;
	[tilespmem:$0xDD00] =	vst v63  }
0x45: {  	s22 =	rddreg [dreg:$0x17]  }
0x46: {  	[tilespmem:s9], [sflag:$0x1] =	stream.indirect.gather [hbm4b:s5+s6], $0x10, s22, s6, $0xb8;
	[tilespmem:$0xDD00] =	vst v63  }
0x47: {  	s23 =	rddreg [dreg:$0x19]  }
0x48: {  	[tilespmem:s8], [sflag:$0x1] =	stream.indirect.gather [hbm4b:s5+s6], $0x10, s23, s6, $0xb8;
	[tilespmem:$0xDD00] =	vst v63  }
0x49: {  	s24 =	rddreg [dreg:$0x1b]  }
0x4a: {  	[tilespmem:s7], [sflag:$0x1] =	stream.indirect.gather [hbm4b:s5+s6], $0x10, s24, s6, $0xb8;
	[tilespmem:$0xDD00] =	vst v63  }
0x4b: {  	s25 =	rddreg [dreg:$0x1d];
	s26 =	simm.s32 $0x7D00  }
0x4c: {  	[tilespmem:s26], [sflag:$0x1] =	stream.indirect.gather [hbm4b:s5+s6], $0x10, s25, s6, $0xb8;
	[tilespmem:$0xDD00] =	vst v63  }
0x4d: {  	s8 =	simm.s32 $0x8500;
	s7 =	simm.s32 $0x780  }
0x4e: {  	[tilespmem:s8], [sflag:$0x1] =	stream.indirect.gather [hbm4b:s5+s6], $0x10, s7, s6, $0xb8;
	[tilespmem:$0xDD00] =	vst v63  }
0x4f: {  	s10 =	simm.s32 $0x8D00;
	s9 =	simm.s32 $0x800  }
0x50: {  	[tilespmem:s10], [sflag:$0x1] =	stream.indirect.gather [hbm4b:s5+s6], $0x10, s9, s6, $0xb8;
	[tilespmem:$0xDD00] =	vst v63  }
0x51: {  	s12 =	simm.s32 $0x9500;
	s11 =	simm.s32 $0x880  }
0x52: {  	[tilespmem:s12], [sflag:$0x1] =	stream.indirect.gather [hbm4b:s5+s6], $0x10, s11, s6, $0xb8;
	[tilespmem:$0xDD00] =	vst v63  }
0x53: {  	s14 =	simm.s32 $0x9D00;
	s13 =	simm.s32 $0x900  }
0x54: {  	[tilespmem:s14], [sflag:$0x1] =	stream.indirect.gather [hbm4b:s5+s6], $0x10, s13, s6, $0xb8;
	[tilespmem:$0xDD00] =	vst v63  }
0x55: {  	s15 =	simm.s32 $0x980;
	s16 =	simm.s32 $0xA500  }
0x56: {  	[tilespmem:s16], [sflag:$0x1] =	stream.indirect.gather [hbm4b:s5+s6], $0x10, s15, s6, $0xb8;
	[tilespmem:$0xDD00] =	vst v63  }
0x57: {  	s17 =	simm.s32 $0xA00;
	s18 =	simm.s32 $0xAD00  }
0x58: {  	[tilespmem:s18], [sflag:$0x1] =	stream.indirect.gather [hbm4b:s5+s6], $0x10, s17, s6, $0xb8;
	[tilespmem:$0xDD00] =	vst v63  }
0x59: {  	s20 =	simm.s32 $0xA80;
	s21 =	simm.s32 $0xB500  }
0x5a: {  	[tilespmem:s21], [sflag:$0x1] =	stream.indirect.gather [hbm4b:s5+s6], $0x10, s20, s6, $0xb8;
	[tilespmem:$0xDD00] =	vst v63  }
0x5b: {  	s22 =	simm.s32 $0xB00;
	s23 =	simm.s32 $0xBD00  }
0x5c: {  	[tilespmem:s23], [sflag:$0x1] =	stream.indirect.gather [hbm4b:s5+s6], $0x10, s22, s6, $0xb8;
	[tilespmem:$0xDD00] =	vst v63  }
0x5d: {  	s25 =	simm.s32 $0xB80;
	s26 =	simm.s32 $0xC500  }
0x5e: {  	[tilespmem:s26], [sflag:$0x1] =	stream.indirect.gather [hbm4b:s5+s6], $0x10, s25, s6, $0xb8;
	[tilespmem:$0xDD00] =	vst v63  }
0x5f: {  	s28 =	simm.s32 $0xC00;
	s29 =	simm.s32 $0xCD00  }
0x60: {  	[tilespmem:s29], [sflag:$0x1] =	stream.indirect.gather [hbm4b:s5+s6], $0x10, s28, s6, $0xb8;
	[tilespmem:$0xDD00] =	vst v63  }
0x61: {  	s30 =	simm.s32 $0xC80;
	s31 =	simm.s32 $0xD500;
	s24 =	simm.s32 $0x1  }
0x62: {  	[tilespmem:s31], [sflag:$0x1] =	stream.indirect.gather [hbm4b:s5+s6], $0x10, s30, s6, $0xb8;
	[tilespmem:$0xDD00] =	vst v63  }
0x63: {  	_ =	swait.ge [sflag:s24], $0x800  }
0x64: {  	[sflag:s24] =	ssyncset.done $0x0  }
0x65: {  	[sflag:s24] =	ssyncadd.s32 $0xFFFFF800  }
0x66: {  	_ =	swait.ge [sflag:s24], $0x800  }
0x67: {  	[sflag:s24] =	ssyncset.done $0x0  }
0x68: {  	[sflag:s24] =	ssyncadd.s32 $0xFFFFF800  }
0x69: {  	_ =	swait.ge [sflag:s24], $0x800  }
0x6a: {  	[sflag:s24] =	ssyncset.done $0x0  }
0x6b: {  	[sflag:s24] =	ssyncadd.s32 $0xFFFFF800  }
0x6c: {  	_ =	swait.ge [sflag:s24], $0x800  }
0x6d: {  	[sflag:s24] =	ssyncset.done $0x0  }
0x6e: {  	[sflag:s24] =	ssyncadd.s32 $0xFFFFF800  }
0x6f: {  	_ =	swait.ge [sflag:s24], $0x800  }
0x70: {  	[sflag:s24] =	ssyncset.done $0x0  }
0x71: {  	[sflag:s24] =	ssyncadd.s32 $0xFFFFF800  }
0x72: {  	_ =	swait.ge [sflag:s24], $0x800  }
0x73: {  	[sflag:s24] =	ssyncset.done $0x0  }
0x74: {  	[sflag:s24] =	ssyncadd.s32 $0xFFFFF800  }
0x75: {  	_ =	swait.ge [sflag:s24], $0x800  }
0x76: {  	[sflag:s24] =	ssyncset.done $0x0  }
0x77: {  	[sflag:s24] =	ssyncadd.s32 $0xFFFFF800  }
0x78: {  	_ =	swait.ge [sflag:s24], $0x800  }
0x79: {  	[sflag:s24] =	ssyncset.done $0x0  }
0x7a: {  	[sflag:s24] =	ssyncadd.s32 $0xFFFFF800  }
0x7b: {  	_ =	swait.ge [sflag:s24], $0x800  }
0x7c: {  	[sflag:s24] =	ssyncset.done $0x0  }
0x7d: {  	[sflag:s24] =	ssyncadd.s32 $0xFFFFF800  }
0x7e: {  	_ =	swait.ge [sflag:s24], $0x800  }
0x7f: {  	[sflag:s24] =	ssyncset.done $0x0  }
0x80: {  	[sflag:s24] =	ssyncadd.s32 $0xFFFFF800  }
0x81: {  	_ =	swait.ge [sflag:s24], $0x800  }
0x82: {  	[sflag:s24] =	ssyncset.done $0x0  }
0x83: {  	[sflag:s24] =	ssyncadd.s32 $0xFFFFF800  }
0x84: {  	_ =	swait.ge [sflag:s24], $0x800  }
0x85: {  	[sflag:s24] =	ssyncset.done $0x0  }
0x86: {  	[sflag:s24] =	ssyncadd.s32 $0xFFFFF800  }
0x87: {  	_ =	swait.ge [sflag:s24], $0x800  }
0x88: {  	[sflag:s24] =	ssyncset.done $0x0  }
0x89: {  	[sflag:s24] =	ssyncadd.s32 $0xFFFFF800  }
0x8a: {  	_ =	swait.ge [sflag:s24], $0x800  }
0x8b: {  	[sflag:s24] =	ssyncset.done $0x0  }
0x8c: {  	[sflag:s24] =	ssyncadd.s32 $0xFFFFF800  }
0x8d: {  	_ =	swait.ge [sflag:s24], $0x800  }
0x8e: {  	[sflag:s24] =	ssyncset.done $0x0  }
0x8f: {  	[sflag:s24] =	ssyncadd.s32 $0xFFFFF800  }
0x90: {  	_ =	swait.ge [sflag:s24], $0x800  }
0x91: {  	[sflag:s24] =	ssyncset.done $0x0  }
0x92: {  	[sflag:s24] =	ssyncadd.s32 $0xFFFFF800  }
0x93: {  	_ =	swait.ge [sflag:s24], $0x800  }
0x94: {  	[sflag:s24] =	ssyncset.done $0x0  }
0x95: {  	[sflag:s24] =	ssyncadd.s32 $0xFFFFF800  }
0x96: {  	_ =	swait.ge [sflag:s24], $0x800  }
0x97: {  	[sflag:s24] =	ssyncset.done $0x0  }
0x98: {  	[sflag:s24] =	ssyncadd.s32 $0xFFFFF800  }
0x99: {  	_ =	swait.ge [sflag:s24], $0x800  }
0x9a: {  	[sflag:s24] =	ssyncset.done $0x0  }
0x9b: {  	[sflag:s24] =	ssyncadd.s32 $0xFFFFF800  }
0x9c: {  	_ =	swait.ge [sflag:s24], $0x800  }
0x9d: {  	[sflag:s24] =	ssyncset.done $0x0  }
0x9e: {  	[sflag:s24] =	ssyncadd.s32 $0xFFFFF800  }
0x9f: {  	s19 =	ssub.s32 $0x2, s1;
	_ =	swait.ge [sflag:s24], $0x800  }
0xa0: {  	s1 =	sshrl.u32 s19, $0x1;
	[sflag:s24] =	ssyncset.done $0x0  }
0xa1: {  	s0 =	ssub.s32 s19, s1;
	[sflag:s24] =	ssyncadd.s32 $0xFFFFF800  }
0xa2: {  	s0 =	smax.u32 s0, $0x1;
	_ =	swait.ge [sflag:s24], $0x800  }
0xa3: {  	p0 =	sne.s32 s0, $0x1;
	[sflag:s24] =	ssyncset.done $0x0  }
.Ltmp0:
0xa4: {  	[sflag:s24] =	ssyncadd.s32 $0xFFFFF800;
	(pc) =	sbr.rel @!p0 .LBB2_2-.Ltmp0, $4  }
0xa5: {  	_ =	swait.ge [sflag:s24], $0x800  }
0xa6: {  	[sflag:s24] =	ssyncset.done $0x0  }
0xa7: {  	[sflag:s24] =	ssyncadd.s32 $0xFFFFF800  }
0xa8: {  	s1 =	sadd.s32 $0xFFFFFFFF, s0;
	_ =	swait.ge [sflag:s24], $0x800  }
.LBB2_1:
0xa9: {  	[sflag:s24] =	ssyncset.done $0x0  }
0xaa: {  	[sflag:s24] =	ssyncadd.s32 $0xFFFFF800  }
0xab: {  	_ =	swait.ge [sflag:s24], $0x800  }
0xac: {  	[sflag:s24] =	ssyncset.done $0x0  }
0xad: {  	[sflag:s24] =	ssyncadd.s32 $0xFFFFF800  }
0xae: {  	_ =	swait.ge [sflag:s24], $0x800  }
0xaf: {  	[sflag:s24] =	ssyncset.done $0x0  }
0xb0: {  	s0 =	rddreg [dreg:$0x3];
	[sflag:s24] =	ssyncadd.s32 $0xFFFFF800  }
0xb1: {  	[hbm4b:s0+s2] =	stream.linear.scatter [tilespmem:s4], [sflag:$0x2], $0xD000, $0x38;
	[tilespmem:$0xDD00] =	vst v63  }
0xb2: {  	_ =	swait.ge [sflag:s3], $0xD000  }
0xb3: {  	[sflag:s3] =	ssyncset.done $0x0  }
0xb4: {  	s17 =	rddreg [dreg:$0x2];
	[sflag:s3] =	ssyncadd.s32 $0xFFFF3000  }
0xb5: {  	[tilespmem:s2], [sflag:$0x2] =	stream.linear.gather [hbm4b:s17+s2], $0xD00, $0x38;
	[tilespmem:$0xDD00] =	vst v63  }
0xb6: {  	_ =	swait.ge [sflag:s3], $0xD00  }
0xb7: {  	s0 =	rddreg [dreg:$0x1c]  }
0xb8: {  	s7 =	rddreg [dreg:$0x1a]  }
0xb9: {  	s8 =	rddreg [dreg:$0x18]  }
0xba: {  	s9 =	rddreg [dreg:$0x16]  }
0xbb: {  	s10 =	rddreg [dreg:$0x14]  }
0xbc: {  	s11 =	rddreg [dreg:$0x12]  }
0xbd: {  	s12 =	rddreg [dreg:$0x10]  }
0xbe: {  	s13 =	rddreg [dreg:$0xe]  }
0xbf: {  	s14 =	rddreg [dreg:$0xc]  }
0xc0: {  	s15 =	rddreg [dreg:$0xa]  }
0xc1: {  	s16 =	rddreg [dreg:$0x5];
	[sflag:s3] =	ssyncset.done $0x0  }
0xc2: {  	s17 =	rddreg [dreg:$0x4];
	[sflag:s3] =	ssyncadd.s32 $0xFFFFF300  }
0xc3: {  	[tilespmem:s4], [sflag:$0x1] =	stream.indirect.gather [hbm4b:s5+s6], $0x10, s2, s6, $0xb8;
	[tilespmem:$0xDD00] =	vst v63  }
0xc4: {  	s18 =	rddreg [dreg:$0x6]  }
0xc5: {  	[tilespmem:s17], [sflag:$0x1] =	stream.indirect.gather [hbm4b:s5+s6], $0x10, s6, s6, $0xb8;
	[tilespmem:$0xDD00] =	vst v63  }
0xc6: {  	s19 =	rddreg [dreg:$0x8]  }
0xc7: {  	[tilespmem:s18], [sflag:$0x1] =	stream.indirect.gather [hbm4b:s5+s6], $0x10, s16, s6, $0xb8;
	[tilespmem:$0xDD00] =	vst v63  }
0xc8: {  	s17 =	rddreg [dreg:$0x7]  }
0xc9: {  	[tilespmem:s19], [sflag:$0x1] =	stream.indirect.gather [hbm4b:s5+s6], $0x10, s17, s6, $0xb8;
	[tilespmem:$0xDD00] =	vst v63  }
0xca: {  	s18 =	rddreg [dreg:$0x9]  }
0xcb: {  	[tilespmem:s15], [sflag:$0x1] =	stream.indirect.gather [hbm4b:s5+s6], $0x10, s18, s6, $0xb8;
	[tilespmem:$0xDD00] =	vst v63  }
0xcc: {  	s19 =	rddreg [dreg:$0xb]  }
0xcd: {  	[tilespmem:s14], [sflag:$0x1] =	stream.indirect.gather [hbm4b:s5+s6], $0x10, s19, s6, $0xb8;
	[tilespmem:$0xDD00] =	vst v63  }
0xce: {  	s16 =	rddreg [dreg:$0xd]  }
0xcf: {  	[tilespmem:s13], [sflag:$0x1] =	stream.indirect.gather [hbm4b:s5+s6], $0x10, s16, s6, $0xb8;
	[tilespmem:$0xDD00] =	vst v63  }
0xd0: {  	s17 =	rddreg [dreg:$0xf]  }
0xd1: {  	[tilespmem:s12], [sflag:$0x1] =	stream.indirect.gather [hbm4b:s5+s6], $0x10, s17, s6, $0xb8;
	[tilespmem:$0xDD00] =	vst v63  }
0xd2: {  	s18 =	rddreg [dreg:$0x11]  }
0xd3: {  	[tilespmem:s11], [sflag:$0x1] =	stream.indirect.gather [hbm4b:s5+s6], $0x10, s18, s6, $0xb8;
	[tilespmem:$0xDD00] =	vst v63  }
0xd4: {  	s19 =	rddreg [dreg:$0x13]  }
0xd5: {  	[tilespmem:s10], [sflag:$0x1] =	stream.indirect.gather [hbm4b:s5+s6], $0x10, s19, s6, $0xb8;
	[tilespmem:$0xDD00] =	vst v63  }
0xd6: {  	s14 =	rddreg [dreg:$0x15]  }
0xd7: {  	[tilespmem:s9], [sflag:$0x1] =	stream.indirect.gather [hbm4b:s5+s6], $0x10, s14, s6, $0xb8;
	[tilespmem:$0xDD00] =	vst v63  }
0xd8: {  	s15 =	rddreg [dreg:$0x17]  }
0xd9: {  	[tilespmem:s8], [sflag:$0x1] =	stream.indirect.gather [hbm4b:s5+s6], $0x10, s15, s6, $0xb8;
	[tilespmem:$0xDD00] =	vst v63  }
0xda: {  	s16 =	rddreg [dreg:$0x19]  }
0xdb: {  	[tilespmem:s7], [sflag:$0x1] =	stream.indirect.gather [hbm4b:s5+s6], $0x10, s16, s6, $0xb8;
	[tilespmem:$0xDD00] =	vst v63  }
0xdc: {  	s17 =	rddreg [dreg:$0x1b]  }
0xdd: {  	[tilespmem:s0], [sflag:$0x1] =	stream.indirect.gather [hbm4b:s5+s6], $0x10, s17, s6, $0xb8;
	[tilespmem:$0xDD00] =	vst v63  }
0xde: {  	s18 =	rddreg [dreg:$0x1d];
	s19 =	simm.s32 $0x7D00  }
0xdf: {  	[tilespmem:s19], [sflag:$0x1] =	stream.indirect.gather [hbm4b:s5+s6], $0x10, s18, s6, $0xb8;
	[tilespmem:$0xDD00] =	vst v63  }
0xe0: {  	s9 =	simm.s32 $0x8500;
	s8 =	simm.s32 $0x780  }
0xe1: {  	[tilespmem:s9], [sflag:$0x1] =	stream.indirect.gather [hbm4b:s5+s6], $0x10, s8, s6, $0xb8;
	[tilespmem:$0xDD00] =	vst v63  }
0xe2: {  	s11 =	simm.s32 $0x8D00;
	s10 =	simm.s32 $0x800  }
0xe3: {  	[tilespmem:s11], [sflag:$0x1] =	stream.indirect.gather [hbm4b:s5+s6], $0x10, s10, s6, $0xb8;
	[tilespmem:$0xDD00] =	vst v63  }
0xe4: {  	s13 =	simm.s32 $0x9500;
	s12 =	simm.s32 $0x880  }
0xe5: {  	[tilespmem:s13], [sflag:$0x1] =	stream.indirect.gather [hbm4b:s5+s6], $0x10, s12, s6, $0xb8;
	[tilespmem:$0xDD00] =	vst v63  }
0xe6: {  	s14 =	simm.s32 $0x900;
	s15 =	simm.s32 $0x9D00  }
0xe7: {  	[tilespmem:s15], [sflag:$0x1] =	stream.indirect.gather [hbm4b:s5+s6], $0x10, s14, s6, $0xb8;
	[tilespmem:$0xDD00] =	vst v63  }
0xe8: {  	s16 =	simm.s32 $0x980;
	s17 =	simm.s32 $0xA500  }
0xe9: {  	[tilespmem:s17], [sflag:$0x1] =	stream.indirect.gather [hbm4b:s5+s6], $0x10, s16, s6, $0xb8;
	[tilespmem:$0xDD00] =	vst v63  }
0xea: {  	s18 =	simm.s32 $0xA00;
	s19 =	simm.s32 $0xAD00  }
0xeb: {  	[tilespmem:s19], [sflag:$0x1] =	stream.indirect.gather [hbm4b:s5+s6], $0x10, s18, s6, $0xb8;
	[tilespmem:$0xDD00] =	vst v63  }
0xec: {  	_ = 	snop  }
0xed: {  	[tilespmem:s21], [sflag:$0x1] =	stream.indirect.gather [hbm4b:s5+s6], $0x10, s20, s6, $0xb8;
	[tilespmem:$0xDD00] =	vst v63  }
0xee: {  	_ = 	snop  }
0xef: {  	[tilespmem:s23], [sflag:$0x1] =	stream.indirect.gather [hbm4b:s5+s6], $0x10, s22, s6, $0xb8;
	[tilespmem:$0xDD00] =	vst v63  }
0xf0: {  	_ = 	snop  }
0xf1: {  	[tilespmem:s26], [sflag:$0x1] =	stream.indirect.gather [hbm4b:s5+s6], $0x10, s25, s6, $0xb8;
	[tilespmem:$0xDD00] =	vst v63  }
0xf2: {  	_ = 	snop  }
0xf3: {  	[tilespmem:s29], [sflag:$0x1] =	stream.indirect.gather [hbm4b:s5+s6], $0x10, s28, s6, $0xb8;
	[tilespmem:$0xDD00] =	vst v63  }
0xf4: {  	_ = 	snop  }
0xf5: {  	[tilespmem:s31], [sflag:$0x1] =	stream.indirect.gather [hbm4b:s5+s6], $0x10, s30, s6, $0xb8;
	[tilespmem:$0xDD00] =	vst v63  }
0xf6: {  	_ =	swait.ge [sflag:s24], $0x800  }
0xf7: {  	[sflag:s24] =	ssyncset.done $0x0  }
0xf8: {  	[sflag:s24] =	ssyncadd.s32 $0xFFFFF800  }
0xf9: {  	_ =	swait.ge [sflag:s24], $0x800  }
0xfa: {  	[sflag:s24] =	ssyncset.done $0x0  }
0xfb: {  	[sflag:s24] =	ssyncadd.s32 $0xFFFFF800  }
0xfc: {  	_ =	swait.ge [sflag:s24], $0x800  }
0xfd: {  	[sflag:s24] =	ssyncset.done $0x0  }
0xfe: {  	[sflag:s24] =	ssyncadd.s32 $0xFFFFF800  }
0xff: {  	_ =	swait.ge [sflag:s24], $0x800  }
0x100: {  	[sflag:s24] =	ssyncset.done $0x0  }
0x101: {  	[sflag:s24] =	ssyncadd.s32 $0xFFFFF800  }
0x102: {  	_ =	swait.ge [sflag:s24], $0x800  }
0x103: {  	[sflag:s24] =	ssyncset.done $0x0  }
0x104: {  	[sflag:s24] =	ssyncadd.s32 $0xFFFFF800  }
0x105: {  	_ =	swait.ge [sflag:s24], $0x800  }
0x106: {  	[sflag:s24] =	ssyncset.done $0x0  }
0x107: {  	[sflag:s24] =	ssyncadd.s32 $0xFFFFF800  }
0x108: {  	_ =	swait.ge [sflag:s24], $0x800  }
0x109: {  	[sflag:s24] =	ssyncset.done $0x0  }
0x10a: {  	[sflag:s24] =	ssyncadd.s32 $0xFFFFF800  }
0x10b: {  	_ =	swait.ge [sflag:s24], $0x800  }
0x10c: {  	[sflag:s24] =	ssyncset.done $0x0  }
0x10d: {  	[sflag:s24] =	ssyncadd.s32 $0xFFFFF800  }
0x10e: {  	_ =	swait.ge [sflag:s24], $0x800  }
0x10f: {  	[sflag:s24] =	ssyncset.done $0x0  }
0x110: {  	[sflag:s24] =	ssyncadd.s32 $0xFFFFF800  }
0x111: {  	_ =	swait.ge [sflag:s24], $0x800  }
0x112: {  	[sflag:s24] =	ssyncset.done $0x0  }
0x113: {  	[sflag:s24] =	ssyncadd.s32 $0xFFFFF800  }
0x114: {  	_ =	swait.ge [sflag:s24], $0x800  }
0x115: {  	[sflag:s24] =	ssyncset.done $0x0  }
0x116: {  	[sflag:s24] =	ssyncadd.s32 $0xFFFFF800  }
0x117: {  	_ =	swait.ge [sflag:s24], $0x800  }
0x118: {  	[sflag:s24] =	ssyncset.done $0x0  }
0x119: {  	[sflag:s24] =	ssyncadd.s32 $0xFFFFF800  }
0x11a: {  	_ =	swait.ge [sflag:s24], $0x800  }
0x11b: {  	[sflag:s24] =	ssyncset.done $0x0  }
0x11c: {  	[sflag:s24] =	ssyncadd.s32 $0xFFFFF800  }
0x11d: {  	_ =	swait.ge [sflag:s24], $0x800  }
0x11e: {  	[sflag:s24] =	ssyncset.done $0x0  }
0x11f: {  	[sflag:s24] =	ssyncadd.s32 $0xFFFFF800  }
0x120: {  	_ =	swait.ge [sflag:s24], $0x800  }
0x121: {  	[sflag:s24] =	ssyncset.done $0x0  }
0x122: {  	[sflag:s24] =	ssyncadd.s32 $0xFFFFF800  }
0x123: {  	_ =	swait.ge [sflag:s24], $0x800  }
0x124: {  	[sflag:s24] =	ssyncset.done $0x0  }
0x125: {  	[sflag:s24] =	ssyncadd.s32 $0xFFFFF800  }
0x126: {  	_ =	swait.ge [sflag:s24], $0x800  }
0x127: {  	[sflag:s24] =	ssyncset.done $0x0  }
0x128: {  	[sflag:s24] =	ssyncadd.s32 $0xFFFFF800  }
0x129: {  	_ =	swait.ge [sflag:s24], $0x800  }
0x12a: {  	[sflag:s24] =	ssyncset.done $0x0  }
0x12b: {  	[sflag:s24] =	ssyncadd.s32 $0xFFFFF800  }
0x12c: {  	_ =	swait.ge [sflag:s24], $0x800  }
0x12d: {  	[sflag:s24] =	ssyncset.done $0x0  }
0x12e: {  	[sflag:s24] =	ssyncadd.s32 $0xFFFFF800  }
0x12f: {  	_ =	swait.ge [sflag:s24], $0x800  }
0x130: {  	[sflag:s24] =	ssyncset.done $0x0  }
0x131: {  	[sflag:s24] =	ssyncadd.s32 $0xFFFFF800  }
0x132: {  	_ =	swait.ge [sflag:s24], $0x800  }
0x133: {  	[sflag:s24] =	ssyncset.done $0x0  }
0x134: {  	[sflag:s24] =	ssyncadd.s32 $0xFFFFF800  }
0x135: {  	_ =	swait.ge [sflag:s24], $0x800  }
0x136: {  	p0 =	sne.s32 s1, $0x1;
	[sflag:s24] =	ssyncset.done $0x0  }
.Ltmp1:
0x137: {  	[sflag:s24] =	ssyncadd.s32 $0xFFFFF800;
	(pc) =	sbr.rel @p0 .LBB2_1-.Ltmp1, $4  }
0x138: {  	_ =	swait.ge [sflag:s24], $0x800  }
0x139: {  	[sflag:s24] =	ssyncset.done $0x0  }
0x13a: {  	[sflag:s24] =	ssyncadd.s32 $0xFFFFF800  }
0x13b: {  	s1 =	sadd.s32 $0xFFFFFFFF, s1;
	_ =	swait.ge [sflag:s24], $0x800  }
.LBB2_2:
0x13c: {  	[sflag:s24] =	ssyncset.done $0x0  }
0x13d: {  	[sflag:s24] =	ssyncadd.s32 $0xFFFFF800  }
0x13e: {  	_ =	swait.ge [sflag:s24], $0x800  }
0x13f: {  	[sflag:s24] =	ssyncset.done $0x0  }
0x140: {  	[sflag:s24] =	ssyncadd.s32 $0xFFFFF800  }
0x141: {  	_ =	swait.ge [sflag:s24], $0x800  }
0x142: {  	[sflag:s24] =	ssyncset.done $0x0  }
0x143: {  	s0 =	rddreg [dreg:$0x3];
	[sflag:s24] =	ssyncadd.s32 $0xFFFFF800  }
0x144: {  	[hbm4b:s0+s2] =	stream.linear.scatter [tilespmem:s4], [sflag:$0x2], $0xD000, $0x38;
	[tilespmem:$0xDD00] =	vst v63  }
0x145: {  	_ =	swait.ge [sflag:s3], $0xD000  }
0x146: {  	[sflag:s3] =	ssyncset.done $0x0  }
0x147: {  	[sflag:s3] =	ssyncadd.s32 $0xFFFF3000  }
0x148: {  	_ =	sfence.sel $0x180000  }
0x149: {  	[bflag:$0x0] =	sbarrier.arrive $0xFFFF  }
0x14a: {  	_ =	strace $0x90000047  }
0x14b: {  	s31 =	stileid.u32;
	[bflag:$0x2] =	sbarrier.arrive $0xFFFF  }
0x14c: {  	p0 =	sne.s32 s31, $0x0;
	s0 =	rddreg [dreg:$0x1]  }
0x14d: {  	s0 =	sadd.s32 @!p0 $0x100000, s0  }
0x14e: {  	[sflag:s0] =	ssyncadd.tile.s32 @!p0 $0x1;
	_ =	shalt  }
.Lfunc_end2:
_tile_overlayer_lowered:
.L_overlay_start_2:
0x14f: {  	(tag) =	ssettag $0x2  }
0x150: {  	s0 =	rddreg [dreg:$0x0];
	s2 =	stileid.u32  }
0x151: {  	s1 =	rddreg [dreg:$0x1];
	p0 =	sne.s32 s2, $0x0  }
0x152: {  	s3 =	rddreg [dreg:$0x2];
	[bflag:$0x3] =	sbarrier.arrive $0xFFFF;
	s2 =	simm.s32 @!p0 $0x1C02  }
0x153: {  	[timem:s3], [sflag:s2] =	dma.local @!p0 [hbm:s0], s1  }
0x154: {  	s0 =	simm.s32 @!p0 $0x2  }
0x155: {  	_ =	swait.ge @!p0 [sflag:s0], s1  }
0x156: {  	s1 =	ssub.s32 @!p0 $0x0, s1;
	[sflag:s0] =	ssyncset.done @!p0 $0x0  }
0x157: {  	[sflag:s0] =	ssyncadd.s32 @!p0 s1  }
0x158: {  	[bflag:$0x3] =	sbarrier.arrive $0xFFFF  }
0x159: {  	_ =	shalt  }

</sc_bundles>
